<compile_context>
chip_gen: v7x
topology: tpu7x:2x2x1
jax: 0.10.2.dev20260603
libtpu: 0.0.44.dev20260713+nightly
codegen_flags: <defaults>
</compile_context>

<pallas_src>
import functools

import jax
import jax.numpy as jnp
from jax import lax
from jax.experimental import pallas as pl
from jax.experimental.pallas import tpu as pltpu
from jax.experimental.pallas import tpu_sc as plsc

N = 16384
NS = 16
CHUNK = N // NS
L = 16
VECS = CHUNK // L

_mesh = plsc.VectorSubcoreMesh(
    core_axis_name="c", subcore_axis_name="s", num_cores=1, num_subcores=NS
)


@functools.partial(
    pl.kernel,
    out_type=jax.ShapeDtypeStruct((L,), jnp.float32),
    mesh=_mesh,
    compiler_params=pltpu.CompilerParams(
        needs_layout_passes=False, skip_device_barrier=True
    ),
    scratch_types=[
        pltpu.VMEM((CHUNK,), jnp.float32),
        pltpu.VMEM((CHUNK,), jnp.int32),
        pltpu.VMEM((CHUNK,), jnp.float32),
        pltpu.VMEM((2, L), jnp.float32),
        pltpu.VMEM((NS - 1, 2, L), jnp.float32),
        pltpu.VMEM((L,), jnp.float32),
        pltpu.VMEM_SHARED((NS, 2, L), jnp.float32),
        pltpu.SemaphoreType.DMA,
    ],
)
def _masked_mse_sc(predict_hbm, events_hbm, rfs_hbm, out_hbm,
                   p_v, e_v, t_v, part_v, all_v, res_v, shared, sem):
    wid = lax.axis_index("s")
    base = wid * CHUNK

    c1 = pltpu.make_async_copy(predict_hbm.at[pl.ds(base, CHUNK)], p_v, sem)
    c2 = pltpu.make_async_copy(events_hbm.at[pl.ds(base, CHUNK)], e_v, sem)
    c3 = pltpu.make_async_copy(rfs_hbm.at[pl.ds(base, CHUNK)], t_v, sem)
    c1.start()
    c2.start()
    c3.start()
    c1.wait()
    c2.wait()
    c3.wait()

    acc_sq = jnp.zeros((L,), jnp.float32)
    acc_ct = jnp.zeros((L,), jnp.float32)
    for i in range(VECS):
        sl = pl.ds(i * L, L)
        m = e_v[sl].astype(jnp.float32)
        d = (p_v[sl] - t_v[sl]) * m
        acc_sq = acc_sq + d * d
        acc_ct = acc_ct + m

    @pl.when(wid != 0)
    def _():
        part_v[0, :] = acc_sq
        part_v[1, :] = acc_ct
        pltpu.sync_copy(part_v, shared.at[wid])

    plsc.subcore_barrier()

    @pl.when(wid == 0)
    def _():
        pltpu.sync_copy(shared.at[pl.ds(1, NS - 1)], all_v)
        tot_sq = acc_sq
        tot_ct = acc_ct
        for w in range(NS - 1):
            tot_sq = tot_sq + all_v[w, 0, :]
            tot_ct = tot_ct + all_v[w, 1, :]

        idx = lax.iota(jnp.int32, L)
        sq, ct = tot_sq, tot_ct
        for sh in (1, 2, 4, 8):
            res_v[...] = sq
            part_v[0, :] = ct
            shuf = jnp.bitwise_xor(idx, sh)
            sq = sq + plsc.load_gather(res_v, [shuf])
            ct = ct + plsc.load_gather(part_v, [jnp.zeros((L,), jnp.int32), shuf])
        res_v[...] = sq / ct
        pltpu.sync_copy(res_v, out_hbm)


@jax.jit
def kernel(predict, events, RFS_time):
    out = _masked_mse_sc(predict, events.astype(jnp.int32), RFS_time)
    return out[0]

# --- scband reference (transcript-rebuilt; emitter-appended) ---
"""Pipeline reference for scband-e1-time-fit-loss-12764642804229 (READ-ONLY COPY).

The authoritative reference and input builder live on the scoring server;
editing this copy changes nothing except your own understanding.
"""

import jax, jax.numpy as jnp
import numpy as np

N = 16384

def setup_inputs(seed: int = 0) -> dict:
    key = jax.random.key(seed)
    k1, k2, k3 = jax.random.split(key, 3)
    predict = jax.random.normal(k1, (N,), dtype=jnp.float32)
    events = jax.random.randint(k2, (N,), 0, 2, dtype=jnp.int64)
    RFS_time = jax.random.uniform(k3, (N,), dtype=jnp.float32)
    return {"predict": predict, "events": events, "RFS_time": RFS_time}

def reference(predict, events, RFS_time):
    # F.mse_loss(predict[events==1], RFS_time[events==1], reduction='mean')
    # JIT-friendly formulation: masked sum of squared errors / number of events.
    mask = (events == 1).astype(predict.dtype)
    diff = (predict - RFS_time) * mask
    sq_sum = jnp.sum(diff * diff)
    count = jnp.sum(mask)
    return sq_sum / count

if __name__ == "__main__":
    import jax
    _d = setup_inputs()
    print(jax.jit(kernel)(*tuple(_d.values())))

</pallas_src>

<mosaic_0001>
#map = affine_map<(d0, d1) -> (0)>
module attributes {stable_mosaic.version = 14 : i64} {
  func.func @_masked_mse_sc(%arg0: i32, %arg1: i32, %arg2: memref<16384xf32, #tpu.memory_space<hbm>>, %arg3: memref<16384xi32, #tpu.memory_space<hbm>>, %arg4: memref<16384xf32, #tpu.memory_space<hbm>>, %arg5: memref<16xf32, #tpu.memory_space<hbm>>, %arg6: memref<1024xf32, #tpu.memory_space<vmem>>, %arg7: memref<1024xi32, #tpu.memory_space<vmem>>, %arg8: memref<1024xf32, #tpu.memory_space<vmem>>, %arg9: memref<2x16xf32, #tpu.memory_space<vmem>>, %arg10: memref<15x2x16xf32, #tpu.memory_space<vmem>>, %arg11: memref<16xf32, #tpu.memory_space<vmem>>, %arg12: memref<16x2x16xf32, #tpu.memory_space<vmem_shared>>, %arg13: memref<!tpu.dma_semaphore, #tpu.memory_space<semaphore_mem>>) attributes {dimension_semantics = [#tpu.dimension_semantics<core_parallel>, #tpu.dimension_semantics<subcore_parallel>], iteration_bounds = array<i64: 1, 16>, scalar_prefetch = 0 : i64, scratch_operands = 8 : i64, tpu.core_type = #tpu.core_type<sc_vector_subcore>, window_params = [{transform_indices = #map}, {transform_indices = #map}, {transform_indices = #map}, {transform_indices = #map}]} {
    %mul3A = arith.constant 1024 : i32
    %mul3A_0 = arith.muli %arg1, %mul3A : i32
    %dma_start3A = tpu.memref_slice %arg2[%mul3A_0] : memref<16384xf32, #tpu.memory_space<hbm>> -> memref<1024xf32, #tpu.memory_space<hbm>>
    %dma_start3A_1 = tpu.memref_slice %arg2[%mul3A_0] : memref<16384xf32, #tpu.memory_space<hbm>> -> memref<1024xf32, #tpu.memory_space<hbm>>
    tpu.enqueue_dma source(%dma_start3A_1 : memref<1024xf32, #tpu.memory_space<hbm>>) target(%arg6 : memref<1024xf32, #tpu.memory_space<vmem>>) target_semaphore(%arg13 : memref<!tpu.dma_semaphore, #tpu.memory_space<semaphore_mem>>)
    %dma_start3A_2 = tpu.memref_slice %arg3[%mul3A_0] : memref<16384xi32, #tpu.memory_space<hbm>> -> memref<1024xi32, #tpu.memory_space<hbm>>
    %dma_start3A_3 = tpu.memref_slice %arg3[%mul3A_0] : memref<16384xi32, #tpu.memory_space<hbm>> -> memref<1024xi32, #tpu.memory_space<hbm>>
    tpu.enqueue_dma source(%dma_start3A_3 : memref<1024xi32, #tpu.memory_space<hbm>>) target(%arg7 : memref<1024xi32, #tpu.memory_space<vmem>>) target_semaphore(%arg13 : memref<!tpu.dma_semaphore, #tpu.memory_space<semaphore_mem>>)
    %dma_start3A_4 = tpu.memref_slice %arg4[%mul3A_0] : memref<16384xf32, #tpu.memory_space<hbm>> -> memref<1024xf32, #tpu.memory_space<hbm>>
    %dma_start3A_5 = tpu.memref_slice %arg4[%mul3A_0] : memref<16384xf32, #tpu.memory_space<hbm>> -> memref<1024xf32, #tpu.memory_space<hbm>>
    tpu.enqueue_dma source(%dma_start3A_5 : memref<1024xf32, #tpu.memory_space<hbm>>) target(%arg8 : memref<1024xf32, #tpu.memory_space<vmem>>) target_semaphore(%arg13 : memref<!tpu.dma_semaphore, #tpu.memory_space<semaphore_mem>>)
    %dma_wait3A = tpu.memref_slice %arg2[%mul3A_0] : memref<16384xf32, #tpu.memory_space<hbm>> -> memref<1024xf32, #tpu.memory_space<hbm>>
    %dma_wait3A_6 = tpu.memref_slice %arg2[%mul3A_0] : memref<16384xf32, #tpu.memory_space<hbm>> -> memref<1024xf32, #tpu.memory_space<hbm>>
    tpu.wait_dma2 semaphore(%arg13 : memref<!tpu.dma_semaphore, #tpu.memory_space<semaphore_mem>>) src(%dma_wait3A_6 : memref<1024xf32, #tpu.memory_space<hbm>>) dst(%arg6 : memref<1024xf32, #tpu.memory_space<vmem>>)
    %dma_wait3A_7 = tpu.memref_slice %arg3[%mul3A_0] : memref<16384xi32, #tpu.memory_space<hbm>> -> memref<1024xi32, #tpu.memory_space<hbm>>
    %dma_wait3A_8 = tpu.memref_slice %arg3[%mul3A_0] : memref<16384xi32, #tpu.memory_space<hbm>> -> memref<1024xi32, #tpu.memory_space<hbm>>
    tpu.wait_dma2 semaphore(%arg13 : memref<!tpu.dma_semaphore, #tpu.memory_space<semaphore_mem>>) src(%dma_wait3A_8 : memref<1024xi32, #tpu.memory_space<hbm>>) dst(%arg7 : memref<1024xi32, #tpu.memory_space<vmem>>)
    %dma_wait3A_9 = tpu.memref_slice %arg4[%mul3A_0] : memref<16384xf32, #tpu.memory_space<hbm>> -> memref<1024xf32, #tpu.memory_space<hbm>>
    %dma_wait3A_10 = tpu.memref_slice %arg4[%mul3A_0] : memref<16384xf32, #tpu.memory_space<hbm>> -> memref<1024xf32, #tpu.memory_space<hbm>>
    tpu.wait_dma2 semaphore(%arg13 : memref<!tpu.dma_semaphore, #tpu.memory_space<semaphore_mem>>) src(%dma_wait3A_10 : memref<1024xf32, #tpu.memory_space<hbm>>) dst(%arg8 : memref<1024xf32, #tpu.memory_space<vmem>>)
    %broadcast_in_dim3A = arith.constant 0.000000e+00 : f32
    %broadcast_in_dim3A_11 = vector.broadcast %broadcast_in_dim3A : f32 to vector<16xf32>
    %broadcast_in_dim3A_12 = arith.constant 0.000000e+00 : f32
    %broadcast_in_dim3A_13 = vector.broadcast %broadcast_in_dim3A_12 : f32 to vector<16xf32>
    %get3A = arith.constant 0 : index
    %get3A_14 = tpu.vector_load %arg7[%get3A] {strides = array<i32>} : memref<1024xi32, #tpu.memory_space<vmem>>, vector<16xi32>,
    %convert_element_type3A = arith.sitofp %get3A_14 : vector<16xi32> to vector<16xf32>
    %get3A_15 = arith.constant 0 : index
    %get3A_16 = tpu.vector_load %arg6[%get3A_15] {strides = array<i32>} : memref<1024xf32, #tpu.memory_space<vmem>>, vector<16xf32>,
    %get3A_17 = arith.constant 0 : index
    %get3A_18 = tpu.vector_load %arg8[%get3A_17] {strides = array<i32>} : memref<1024xf32, #tpu.memory_space<vmem>>, vector<16xf32>,
    %sub3A = arith.subf %get3A_16, %get3A_18 : vector<16xf32>
    %mul3A_19 = arith.mulf %sub3A, %convert_element_type3A : vector<16xf32>
    %mul3A_20 = arith.mulf %mul3A_19, %mul3A_19 : vector<16xf32>
    %add3A = arith.addf %broadcast_in_dim3A_11, %mul3A_20 : vector<16xf32>
    %add3A_21 = arith.addf %broadcast_in_dim3A_13, %convert_element_type3A : vector<16xf32>
    %get3A_22 = arith.constant 16 : index
    %get3A_23 = tpu.vector_load %arg7[%get3A_22] {strides = array<i32>} : memref<1024xi32, #tpu.memory_space<vmem>>, vector<16xi32>,
    %convert_element_type3A_24 = arith.sitofp %get3A_23 : vector<16xi32> to vector<16xf32>
    %get3A_25 = arith.constant 16 : index
    %get3A_26 = tpu.vector_load %arg6[%get3A_25] {strides = array<i32>} : memref<1024xf32, #tpu.memory_space<vmem>>, vector<16xf32>,
    %get3A_27 = arith.constant 16 : index
    %get3A_28 = tpu.vector_load %arg8[%get3A_27] {strides = array<i32>} : memref<1024xf32, #tpu.memory_space<vmem>>, vector<16xf32>,
    %sub3A_29 = arith.subf %get3A_26, %get3A_28 : vector<16xf32>
    %mul3A_30 = arith.mulf %sub3A_29, %convert_element_type3A_24 : vector<16xf32>
    %mul3A_31 = arith.mulf %mul3A_30, %mul3A_30 : vector<16xf32>
    %add3A_32 = arith.addf %add3A, %mul3A_31 : vector<16xf32>
    %add3A_33 = arith.addf %add3A_21, %convert_element_type3A_24 : vector<16xf32>
    %get3A_34 = arith.constant 32 : index
    %get3A_35 = tpu.vector_load %arg7[%get3A_34] {strides = array<i32>} : memref<1024xi32, #tpu.memory_space<vmem>>, vector<16xi32>,
    %convert_element_type3A_36 = arith.sitofp %get3A_35 : vector<16xi32> to vector<16xf32>
    %get3A_37 = arith.constant 32 : index
    %get3A_38 = tpu.vector_load %arg6[%get3A_37] {strides = array<i32>} : memref<1024xf32, #tpu.memory_space<vmem>>, vector<16xf32>,
    %get3A_39 = arith.constant 32 : index
    %get3A_40 = tpu.vector_load %arg8[%get3A_39] {strides = array<i32>} : memref<1024xf32, #tpu.memory_space<vmem>>, vector<16xf32>,
    %sub3A_41 = arith.subf %get3A_38, %get3A_40 : vector<16xf32>
    %mul3A_42 = arith.mulf %sub3A_41, %convert_element_type3A_36 : vector<16xf32>
    %mul3A_43 = arith.mulf %mul3A_42, %mul3A_42 : vector<16xf32>
    %add3A_44 = arith.addf %add3A_32, %mul3A_43 : vector<16xf32>
    %add3A_45 = arith.addf %add3A_33, %convert_element_type3A_36 : vector<16xf32>
    %get3A_46 = arith.constant 48 : index
    %get3A_47 = tpu.vector_load %arg7[%get3A_46] {strides = array<i32>} : memref<1024xi32, #tpu.memory_space<vmem>>, vector<16xi32>,
    %convert_element_type3A_48 = arith.sitofp %get3A_47 : vector<16xi32> to vector<16xf32>
    %get3A_49 = arith.constant 48 : index
    %get3A_50 = tpu.vector_load %arg6[%get3A_49] {strides = array<i32>} : memref<1024xf32, #tpu.memory_space<vmem>>, vector<16xf32>,
    %get3A_51 = arith.constant 48 : index
    %get3A_52 = tpu.vector_load %arg8[%get3A_51] {strides = array<i32>} : memref<1024xf32, #tpu.memory_space<vmem>>, vector<16xf32>,
    %sub3A_53 = arith.subf %get3A_50, %get3A_52 : vector<16xf32>
    %mul3A_54 = arith.mulf %sub3A_53, %convert_element_type3A_48 : vector<16xf32>
    %mul3A_55 = arith.mulf %mul3A_54, %mul3A_54 : vector<16xf32>
    %add3A_56 = arith.addf %add3A_44, %mul3A_55 : vector<16xf32>
    %add3A_57 = arith.addf %add3A_45, %convert_element_type3A_48 : vector<16xf32>
    %get3A_58 = arith.constant 64 : index
    %get3A_59 = tpu.vector_load %arg7[%get3A_58] {strides = array<i32>} : memref<1024xi32, #tpu.memory_space<vmem>>, vector<16xi32>,
    %convert_element_type3A_60 = arith.sitofp %get3A_59 : vector<16xi32> to vector<16xf32>
    %get3A_61 = arith.constant 64 : index
    %get3A_62 = tpu.vector_load %arg6[%get3A_61] {strides = array<i32>} : memref<1024xf32, #tpu.memory_space<vmem>>, vector<16xf32>,
    %get3A_63 = arith.constant 64 : index
    %get3A_64 = tpu.vector_load %arg8[%get3A_63] {strides = array<i32>} : memref<1024xf32, #tpu.memory_space<vmem>>, vector<16xf32>,
    %sub3A_65 = arith.subf %get3A_62, %get3A_64 : vector<16xf32>
    %mul3A_66 = arith.mulf %sub3A_65, %convert_element_type3A_60 : vector<16xf32>
    %mul3A_67 = arith.mulf %mul3A_66, %mul3A_66 : vector<16xf32>
    %add3A_68 = arith.addf %add3A_56, %mul3A_67 : vector<16xf32>
    %add3A_69 = arith.addf %add3A_57, %convert_element_type3A_60 : vector<16xf32>
    %get3A_70 = arith.constant 80 : index
    %get3A_71 = tpu.vector_load %arg7[%get3A_70] {strides = array<i32>} : memref<1024xi32, #tpu.memory_space<vmem>>, vector<16xi32>,
    %convert_element_type3A_72 = arith.sitofp %get3A_71 : vector<16xi32> to vector<16xf32>
    %get3A_73 = arith.constant 80 : index
    %get3A_74 = tpu.vector_load %arg6[%get3A_73] {strides = array<i32>} : memref<1024xf32, #tpu.memory_space<vmem>>, vector<16xf32>,
    %get3A_75 = arith.constant 80 : index
    %get3A_76 = tpu.vector_load %arg8[%get3A_75] {strides = array<i32>} : memref<1024xf32, #tpu.memory_space<vmem>>, vector<16xf32>,
    %sub3A_77 = arith.subf %get3A_74, %get3A_76 : vector<16xf32>
    %mul3A_78 = arith.mulf %sub3A_77, %convert_element_type3A_72 : vector<16xf32>
    %mul3A_79 = arith.mulf %mul3A_78, %mul3A_78 : vector<16xf32>
    %add3A_80 = arith.addf %add3A_68, %mul3A_79 : vector<16xf32>
    %add3A_81 = arith.addf %add3A_69, %convert_element_type3A_72 : vector<16xf32>
    %get3A_82 = arith.constant 96 : index
    %get3A_83 = tpu.vector_load %arg7[%get3A_82] {strides = array<i32>} : memref<1024xi32, #tpu.memory_space<vmem>>, vector<16xi32>,
    %convert_element_type3A_84 = arith.sitofp %get3A_83 : vector<16xi32> to vector<16xf32>
    %get3A_85 = arith.constant 96 : index
    %get3A_86 = tpu.vector_load %arg6[%get3A_85] {strides = array<i32>} : memref<1024xf32, #tpu.memory_space<vmem>>, vector<16xf32>,
    %get3A_87 = arith.constant 96 : index
    %get3A_88 = tpu.vector_load %arg8[%get3A_87] {strides = array<i32>} : memref<1024xf32, #tpu.memory_space<vmem>>, vector<16xf32>,
    %sub3A_89 = arith.subf %get3A_86, %get3A_88 : vector<16xf32>
    %mul3A_90 = arith.mulf %sub3A_89, %convert_element_type3A_84 : vector<16xf32>
    %mul3A_91 = arith.mulf %mul3A_90, %mul3A_90 : vector<16xf32>
    %add3A_92 = arith.addf %add3A_80, %mul3A_91 : vector<16xf32>
    %add3A_93 = arith.addf %add3A_81, %convert_element_type3A_84 : vector<16xf32>
    %get3A_94 = arith.constant 112 : index
    %get3A_95 = tpu.vector_load %arg7[%get3A_94] {strides = array<i32>} : memref<1024xi32, #tpu.memory_space<vmem>>, vector<16xi32>,
    %convert_element_type3A_96 = arith.sitofp %get3A_95 : vector<16xi32> to vector<16xf32>
    %get3A_97 = arith.constant 112 : index
    %get3A_98 = tpu.vector_load %arg6[%get3A_97] {strides = array<i32>} : memref<1024xf32, #tpu.memory_space<vmem>>, vector<16xf32>,
    %get3A_99 = arith.constant 112 : index
    %get3A_100 = tpu.vector_load %arg8[%get3A_99] {strides = array<i32>} : memref<1024xf32, #tpu.memory_space<vmem>>, vector<16xf32>,
    %sub3A_101 = arith.subf %get3A_98, %get3A_100 : vector<16xf32>
    %mul3A_102 = arith.mulf %sub3A_101, %convert_element_type3A_96 : vector<16xf32>
    %mul3A_103 = arith.mulf %mul3A_102, %mul3A_102 : vector<16xf32>
    %add3A_104 = arith.addf %add3A_92, %mul3A_103 : vector<16xf32>
    %add3A_105 = arith.addf %add3A_93, %convert_element_type3A_96 : vector<16xf32>
    %get3A_106 = arith.constant 128 : index
    %get3A_107 = tpu.vector_load %arg7[%get3A_106] {strides = array<i32>} : memref<1024xi32, #tpu.memory_space<vmem>>, vector<16xi32>,
    %convert_element_type3A_108 = arith.sitofp %get3A_107 : vector<16xi32> to vector<16xf32>
    %get3A_109 = arith.constant 128 : index
    %get3A_110 = tpu.vector_load %arg6[%get3A_109] {strides = array<i32>} : memref<1024xf32, #tpu.memory_space<vmem>>, vector<16xf32>,
    %get3A_111 = arith.constant 128 : index
    %get3A_112 = tpu.vector_load %arg8[%get3A_111] {strides = array<i32>} : memref<1024xf32, #tpu.memory_space<vmem>>, vector<16xf32>,
    %sub3A_113 = arith.subf %get3A_110, %get3A_112 : vector<16xf32>
    %mul3A_114 = arith.mulf %sub3A_113, %convert_element_type3A_108 : vector<16xf32>
    %mul3A_115 = arith.mulf %mul3A_114, %mul3A_114 : vector<16xf32>
    %add3A_116 = arith.addf %add3A_104, %mul3A_115 : vector<16xf32>
    %add3A_117 = arith.addf %add3A_105, %convert_element_type3A_108 : vector<16xf32>
    %get3A_118 = arith.constant 144 : index
    %get3A_119 = tpu.vector_load %arg7[%get3A_118] {strides = array<i32>} : memref<1024xi32, #tpu.memory_space<vmem>>, vector<16xi32>,
    %convert_element_type3A_120 = arith.sitofp %get3A_119 : vector<16xi32> to vector<16xf32>
    %get3A_121 = arith.constant 144 : index
    %get3A_122 = tpu.vector_load %arg6[%get3A_121] {strides = array<i32>} : memref<1024xf32, #tpu.memory_space<vmem>>, vector<16xf32>,
    %get3A_123 = arith.constant 144 : index
    %get3A_124 = tpu.vector_load %arg8[%get3A_123] {strides = array<i32>} : memref<1024xf32, #tpu.memory_space<vmem>>, vector<16xf32>,
    %sub3A_125 = arith.subf %get3A_122, %get3A_124 : vector<16xf32>
    %mul3A_126 = arith.mulf %sub3A_125, %convert_element_type3A_120 : vector<16xf32>
    %mul3A_127 = arith.mulf %mul3A_126, %mul3A_126 : vector<16xf32>
    %add3A_128 = arith.addf %add3A_116, %mul3A_127 : vector<16xf32>
    %add3A_129 = arith.addf %add3A_117, %convert_element_type3A_120 : vector<16xf32>
    %get3A_130 = arith.constant 160 : index
    %get3A_131 = tpu.vector_load %arg7[%get3A_130] {strides = array<i32>} : memref<1024xi32, #tpu.memory_space<vmem>>, vector<16xi32>,
    %convert_element_type3A_132 = arith.sitofp %get3A_131 : vector<16xi32> to vector<16xf32>
    %get3A_133 = arith.constant 160 : index
    %get3A_134 = tpu.vector_load %arg6[%get3A_133] {strides = array<i32>} : memref<1024xf32, #tpu.memory_space<vmem>>, vector<16xf32>,
    %get3A_135 = arith.constant 160 : index
    %get3A_136 = tpu.vector_load %arg8[%get3A_135] {strides = array<i32>} : memref<1024xf32, #tpu.memory_space<vmem>>, vector<16xf32>,
    %sub3A_137 = arith.subf %get3A_134, %get3A_136 : vector<16xf32>
    %mul3A_138 = arith.mulf %sub3A_137, %convert_element_type3A_132 : vector<16xf32>
    %mul3A_139 = arith.mulf %mul3A_138, %mul3A_138 : vector<16xf32>
    %add3A_140 = arith.addf %add3A_128, %mul3A_139 : vector<16xf32>
    %add3A_141 = arith.addf %add3A_129, %convert_element_type3A_132 : vector<16xf32>
    %get3A_142 = arith.constant 176 : index
    %get3A_143 = tpu.vector_load %arg7[%get3A_142] {strides = array<i32>} : memref<1024xi32, #tpu.memory_space<vmem>>, vector<16xi32>,
    %convert_element_type3A_144 = arith.sitofp %get3A_143 : vector<16xi32> to vector<16xf32>
    %get3A_145 = arith.constant 176 : index
    %get3A_146 = tpu.vector_load %arg6[%get3A_145] {strides = array<i32>} : memref<1024xf32, #tpu.memory_space<vmem>>, vector<16xf32>,
    %get3A_147 = arith.constant 176 : index
    %get3A_148 = tpu.vector_load %arg8[%get3A_147] {strides = array<i32>} : memref<1024xf32, #tpu.memory_space<vmem>>, vector<16xf32>,
    %sub3A_149 = arith.subf %get3A_146, %get3A_148 : vector<16xf32>
    %mul3A_150 = arith.mulf %sub3A_149, %convert_element_type3A_144 : vector<16xf32>
    %mul3A_151 = arith.mulf %mul3A_150, %mul3A_150 : vector<16xf32>
    %add3A_152 = arith.addf %add3A_140, %mul3A_151 : vector<16xf32>
    %add3A_153 = arith.addf %add3A_141, %convert_element_type3A_144 : vector<16xf32>
    %get3A_154 = arith.constant 192 : index
    %get3A_155 = tpu.vector_load %arg7[%get3A_154] {strides = array<i32>} : memref<1024xi32, #tpu.memory_space<vmem>>, vector<16xi32>,
    %convert_element_type3A_156 = arith.sitofp %get3A_155 : vector<16xi32> to vector<16xf32>
    %get3A_157 = arith.constant 192 : index
    %get3A_158 = tpu.vector_load %arg6[%get3A_157] {strides = array<i32>} : memref<1024xf32, #tpu.memory_space<vmem>>, vector<16xf32>,
    %get3A_159 = arith.constant 192 : index
    %get3A_160 = tpu.vector_load %arg8[%get3A_159] {strides = array<i32>} : memref<1024xf32, #tpu.memory_space<vmem>>, vector<16xf32>,
    %sub3A_161 = arith.subf %get3A_158, %get3A_160 : vector<16xf32>
    %mul3A_162 = arith.mulf %sub3A_161, %convert_element_type3A_156 : vector<16xf32>
    %mul3A_163 = arith.mulf %mul3A_162, %mul3A_162 : vector<16xf32>
    %add3A_164 = arith.addf %add3A_152, %mul3A_163 : vector<16xf32>
    %add3A_165 = arith.addf %add3A_153, %convert_element_type3A_156 : vector<16xf32>
    %get3A_166 = arith.constant 208 : index
    %get3A_167 = tpu.vector_load %arg7[%get3A_166] {strides = array<i32>} : memref<1024xi32, #tpu.memory_space<vmem>>, vector<16xi32>,
    %convert_element_type3A_168 = arith.sitofp %get3A_167 : vector<16xi32> to vector<16xf32>
    %get3A_169 = arith.constant 208 : index
    %get3A_170 = tpu.vector_load %arg6[%get3A_169] {strides = array<i32>} : memref<1024xf32, #tpu.memory_space<vmem>>, vector<16xf32>,
    %get3A_171 = arith.constant 208 : index
    %get3A_172 = tpu.vector_load %arg8[%get3A_171] {strides = array<i32>} : memref<1024xf32, #tpu.memory_space<vmem>>, vector<16xf32>,
    %sub3A_173 = arith.subf %get3A_170, %get3A_172 : vector<16xf32>
    %mul3A_174 = arith.mulf %sub3A_173, %convert_element_type3A_168 : vector<16xf32>
    %mul3A_175 = arith.mulf %mul3A_174, %mul3A_174 : vector<16xf32>
    %add3A_176 = arith.addf %add3A_164, %mul3A_175 : vector<16xf32>
    %add3A_177 = arith.addf %add3A_165, %convert_element_type3A_168 : vector<16xf32>
    %get3A_178 = arith.constant 224 : index
    %get3A_179 = tpu.vector_load %arg7[%get3A_178] {strides = array<i32>} : memref<1024xi32, #tpu.memory_space<vmem>>, vector<16xi32>,
    %convert_element_type3A_180 = arith.sitofp %get3A_179 : vector<16xi32> to vector<16xf32>
    %get3A_181 = arith.constant 224 : index
    %get3A_182 = tpu.vector_load %arg6[%get3A_181] {strides = array<i32>} : memref<1024xf32, #tpu.memory_space<vmem>>, vector<16xf32>,
    %get3A_183 = arith.constant 224 : index
    %get3A_184 = tpu.vector_load %arg8[%get3A_183] {strides = array<i32>} : memref<1024xf32, #tpu.memory_space<vmem>>, vector<16xf32>,
    %sub3A_185 = arith.subf %get3A_182, %get3A_184 : vector<16xf32>
    %mul3A_186 = arith.mulf %sub3A_185, %convert_element_type3A_180 : vector<16xf32>
    %mul3A_187 = arith.mulf %mul3A_186, %mul3A_186 : vector<16xf32>
    %add3A_188 = arith.addf %add3A_176, %mul3A_187 : vector<16xf32>
    %add3A_189 = arith.addf %add3A_177, %convert_element_type3A_180 : vector<16xf32>
    %get3A_190 = arith.constant 240 : index
    %get3A_191 = tpu.vector_load %arg7[%get3A_190] {strides = array<i32>} : memref<1024xi32, #tpu.memory_space<vmem>>, vector<16xi32>,
    %convert_element_type3A_192 = arith.sitofp %get3A_191 : vector<16xi32> to vector<16xf32>
    %get3A_193 = arith.constant 240 : index
    %get3A_194 = tpu.vector_load %arg6[%get3A_193] {strides = array<i32>} : memref<1024xf32, #tpu.memory_space<vmem>>, vector<16xf32>,
    %get3A_195 = arith.constant 240 : index
    %get3A_196 = tpu.vector_load %arg8[%get3A_195] {strides = array<i32>} : memref<1024xf32, #tpu.memory_space<vmem>>, vector<16xf32>,
    %sub3A_197 = arith.subf %get3A_194, %get3A_196 : vector<16xf32>
    %mul3A_198 = arith.mulf %sub3A_197, %convert_element_type3A_192 : vector<16xf32>
    %mul3A_199 = arith.mulf %mul3A_198, %mul3A_198 : vector<16xf32>
    %add3A_200 = arith.addf %add3A_188, %mul3A_199 : vector<16xf32>
    %add3A_201 = arith.addf %add3A_189, %convert_element_type3A_192 : vector<16xf32>
    %get3A_202 = arith.constant 256 : index
    %get3A_203 = tpu.vector_load %arg7[%get3A_202] {strides = array<i32>} : memref<1024xi32, #tpu.memory_space<vmem>>, vector<16xi32>,
    %convert_element_type3A_204 = arith.sitofp %get3A_203 : vector<16xi32> to vector<16xf32>
    %get3A_205 = arith.constant 256 : index
    %get3A_206 = tpu.vector_load %arg6[%get3A_205] {strides = array<i32>} : memref<1024xf32, #tpu.memory_space<vmem>>, vector<16xf32>,
    %get3A_207 = arith.constant 256 : index
    %get3A_208 = tpu.vector_load %arg8[%get3A_207] {strides = array<i32>} : memref<1024xf32, #tpu.memory_space<vmem>>, vector<16xf32>,
    %sub3A_209 = arith.subf %get3A_206, %get3A_208 : vector<16xf32>
    %mul3A_210 = arith.mulf %sub3A_209, %convert_element_type3A_204 : vector<16xf32>
    %mul3A_211 = arith.mulf %mul3A_210, %mul3A_210 : vector<16xf32>
    %add3A_212 = arith.addf %add3A_200, %mul3A_211 : vector<16xf32>
    %add3A_213 = arith.addf %add3A_201, %convert_element_type3A_204 : vector<16xf32>
    %get3A_214 = arith.constant 272 : index
    %get3A_215 = tpu.vector_load %arg7[%get3A_214] {strides = array<i32>} : memref<1024xi32, #tpu.memory_space<vmem>>, vector<16xi32>,
    %convert_element_type3A_216 = arith.sitofp %get3A_215 : vector<16xi32> to vector<16xf32>
    %get3A_217 = arith.constant 272 : index
    %get3A_218 = tpu.vector_load %arg6[%get3A_217] {strides = array<i32>} : memref<1024xf32, #tpu.memory_space<vmem>>, vector<16xf32>,
    %get3A_219 = arith.constant 272 : index
    %get3A_220 = tpu.vector_load %arg8[%get3A_219] {strides = array<i32>} : memref<1024xf32, #tpu.memory_space<vmem>>, vector<16xf32>,
    %sub3A_221 = arith.subf %get3A_218, %get3A_220 : vector<16xf32>
    %mul3A_222 = arith.mulf %sub3A_221, %convert_element_type3A_216 : vector<16xf32>
    %mul3A_223 = arith.mulf %mul3A_222, %mul3A_222 : vector<16xf32>
    %add3A_224 = arith.addf %add3A_212, %mul3A_223 : vector<16xf32>
    %add3A_225 = arith.addf %add3A_213, %convert_element_type3A_216 : vector<16xf32>
    %get3A_226 = arith.constant 288 : index
    %get3A_227 = tpu.vector_load %arg7[%get3A_226] {strides = array<i32>} : memref<1024xi32, #tpu.memory_space<vmem>>, vector<16xi32>,
    %convert_element_type3A_228 = arith.sitofp %get3A_227 : vector<16xi32> to vector<16xf32>
    %get3A_229 = arith.constant 288 : index
    %get3A_230 = tpu.vector_load %arg6[%get3A_229] {strides = array<i32>} : memref<1024xf32, #tpu.memory_space<vmem>>, vector<16xf32>,
    %get3A_231 = arith.constant 288 : index
    %get3A_232 = tpu.vector_load %arg8[%get3A_231] {strides = array<i32>} : memref<1024xf32, #tpu.memory_space<vmem>>, vector<16xf32>,
    %sub3A_233 = arith.subf %get3A_230, %get3A_232 : vector<16xf32>
    %mul3A_234 = arith.mulf %sub3A_233, %convert_element_type3A_228 : vector<16xf32>
    %mul3A_235 = arith.mulf %mul3A_234, %mul3A_234 : vector<16xf32>
    %add3A_236 = arith.addf %add3A_224, %mul3A_235 : vector<16xf32>
    %add3A_237 = arith.addf %add3A_225, %convert_element_type3A_228 : vector<16xf32>
    %get3A_238 = arith.constant 304 : index
    %get3A_239 = tpu.vector_load %arg7[%get3A_238] {strides = array<i32>} : memref<1024xi32, #tpu.memory_space<vmem>>, vector<16xi32>,
    %convert_element_type3A_240 = arith.sitofp %get3A_239 : vector<16xi32> to vector<16xf32>
    %get3A_241 = arith.constant 304 : index
    %get3A_242 = tpu.vector_load %arg6[%get3A_241] {strides = array<i32>} : memref<1024xf32, #tpu.memory_space<vmem>>, vector<16xf32>,
    %get3A_243 = arith.constant 304 : index
    %get3A_244 = tpu.vector_load %arg8[%get3A_243] {strides = array<i32>} : memref<1024xf32, #tpu.memory_space<vmem>>, vector<16xf32>,
    %sub3A_245 = arith.subf %get3A_242, %get3A_244 : vector<16xf32>
    %mul3A_246 = arith.mulf %sub3A_245, %convert_element_type3A_240 : vector<16xf32>
    %mul3A_247 = arith.mulf %mul3A_246, %mul3A_246 : vector<16xf32>
    %add3A_248 = arith.addf %add3A_236, %mul3A_247 : vector<16xf32>
    %add3A_249 = arith.addf %add3A_237, %convert_element_type3A_240 : vector<16xf32>
    %get3A_250 = arith.constant 320 : index
    %get3A_251 = tpu.vector_load %arg7[%get3A_250] {strides = array<i32>} : memref<1024xi32, #tpu.memory_space<vmem>>, vector<16xi32>,
    %convert_element_type3A_252 = arith.sitofp %get3A_251 : vector<16xi32> to vector<16xf32>
    %get3A_253 = arith.constant 320 : index
    %get3A_254 = tpu.vector_load %arg6[%get3A_253] {strides = array<i32>} : memref<1024xf32, #tpu.memory_space<vmem>>, vector<16xf32>,
    %get3A_255 = arith.constant 320 : index
    %get3A_256 = tpu.vector_load %arg8[%get3A_255] {strides = array<i32>} : memref<1024xf32, #tpu.memory_space<vmem>>, vector<16xf32>,
    %sub3A_257 = arith.subf %get3A_254, %get3A_256 : vector<16xf32>
    %mul3A_258 = arith.mulf %sub3A_257, %convert_element_type3A_252 : vector<16xf32>
    %mul3A_259 = arith.mulf %mul3A_258, %mul3A_258 : vector<16xf32>
    %add3A_260 = arith.addf %add3A_248, %mul3A_259 : vector<16xf32>
    %add3A_261 = arith.addf %add3A_249, %convert_element_type3A_252 : vector<16xf32>
    %get3A_262 = arith.constant 336 : index
    %get3A_263 = tpu.vector_load %arg7[%get3A_262] {strides = array<i32>} : memref<1024xi32, #tpu.memory_space<vmem>>, vector<16xi32>,
    %convert_element_type3A_264 = arith.sitofp %get3A_263 : vector<16xi32> to vector<16xf32>
    %get3A_265 = arith.constant 336 : index
    %get3A_266 = tpu.vector_load %arg6[%get3A_265] {strides = array<i32>} : memref<1024xf32, #tpu.memory_space<vmem>>, vector<16xf32>,
    %get3A_267 = arith.constant 336 : index
    %get3A_268 = tpu.vector_load %arg8[%get3A_267] {strides = array<i32>} : memref<1024xf32, #tpu.memory_space<vmem>>, vector<16xf32>,
    %sub3A_269 = arith.subf %get3A_266, %get3A_268 : vector<16xf32>
    %mul3A_270 = arith.mulf %sub3A_269, %convert_element_type3A_264 : vector<16xf32>
    %mul3A_271 = arith.mulf %mul3A_270, %mul3A_270 : vector<16xf32>
    %add3A_272 = arith.addf %add3A_260, %mul3A_271 : vector<16xf32>
    %add3A_273 = arith.addf %add3A_261, %convert_element_type3A_264 : vector<16xf32>
    %get3A_274 = arith.constant 352 : index
    %get3A_275 = tpu.vector_load %arg7[%get3A_274] {strides = array<i32>} : memref<1024xi32, #tpu.memory_space<vmem>>, vector<16xi32>,
    %convert_element_type3A_276 = arith.sitofp %get3A_275 : vector<16xi32> to vector<16xf32>
    %get3A_277 = arith.constant 352 : index
    %get3A_278 = tpu.vector_load %arg6[%get3A_277] {strides = array<i32>} : memref<1024xf32, #tpu.memory_space<vmem>>, vector<16xf32>,
    %get3A_279 = arith.constant 352 : index
    %get3A_280 = tpu.vector_load %arg8[%get3A_279] {strides = array<i32>} : memref<1024xf32, #tpu.memory_space<vmem>>, vector<16xf32>,
    %sub3A_281 = arith.subf %get3A_278, %get3A_280 : vector<16xf32>
    %mul3A_282 = arith.mulf %sub3A_281, %convert_element_type3A_276 : vector<16xf32>
    %mul3A_283 = arith.mulf %mul3A_282, %mul3A_282 : vector<16xf32>
    %add3A_284 = arith.addf %add3A_272, %mul3A_283 : vector<16xf32>
    %add3A_285 = arith.addf %add3A_273, %convert_element_type3A_276 : vector<16xf32>
    %get3A_286 = arith.constant 368 : index
    %get3A_287 = tpu.vector_load %arg7[%get3A_286] {strides = array<i32>} : memref<1024xi32, #tpu.memory_space<vmem>>, vector<16xi32>,
    %convert_element_type3A_288 = arith.sitofp %get3A_287 : vector<16xi32> to vector<16xf32>
    %get3A_289 = arith.constant 368 : index
    %get3A_290 = tpu.vector_load %arg6[%get3A_289] {strides = array<i32>} : memref<1024xf32, #tpu.memory_space<vmem>>, vector<16xf32>,
    %get3A_291 = arith.constant 368 : index
    %get3A_292 = tpu.vector_load %arg8[%get3A_291] {strides = array<i32>} : memref<1024xf32, #tpu.memory_space<vmem>>, vector<16xf32>,
    %sub3A_293 = arith.subf %get3A_290, %get3A_292 : vector<16xf32>
    %mul3A_294 = arith.mulf %sub3A_293, %convert_element_type3A_288 : vector<16xf32>
    %mul3A_295 = arith.mulf %mul3A_294, %mul3A_294 : vector<16xf32>
    %add3A_296 = arith.addf %add3A_284, %mul3A_295 : vector<16xf32>
    %add3A_297 = arith.addf %add3A_285, %convert_element_type3A_288 : vector<16xf32>
    %get3A_298 = arith.constant 384 : index
    %get3A_299 = tpu.vector_load %arg7[%get3A_298] {strides = array<i32>} : memref<1024xi32, #tpu.memory_space<vmem>>, vector<16xi32>,
    %convert_element_type3A_300 = arith.sitofp %get3A_299 : vector<16xi32> to vector<16xf32>
    %get3A_301 = arith.constant 384 : index
    %get3A_302 = tpu.vector_load %arg6[%get3A_301] {strides = array<i32>} : memref<1024xf32, #tpu.memory_space<vmem>>, vector<16xf32>,
    %get3A_303 = arith.constant 384 : index
    %get3A_304 = tpu.vector_load %arg8[%get3A_303] {strides = array<i32>} : memref<1024xf32, #tpu.memory_space<vmem>>, vector<16xf32>,
    %sub3A_305 = arith.subf %get3A_302, %get3A_304 : vector<16xf32>
    %mul3A_306 = arith.mulf %sub3A_305, %convert_element_type3A_300 : vector<16xf32>
    %mul3A_307 = arith.mulf %mul3A_306, %mul3A_306 : vector<16xf32>
    %add3A_308 = arith.addf %add3A_296, %mul3A_307 : vector<16xf32>
    %add3A_309 = arith.addf %add3A_297, %convert_element_type3A_300 : vector<16xf32>
    %get3A_310 = arith.constant 400 : index
    %get3A_311 = tpu.vector_load %arg7[%get3A_310] {strides = array<i32>} : memref<1024xi32, #tpu.memory_space<vmem>>, vector<16xi32>,
    %convert_element_type3A_312 = arith.sitofp %get3A_311 : vector<16xi32> to vector<16xf32>
    %get3A_313 = arith.constant 400 : index
    %get3A_314 = tpu.vector_load %arg6[%get3A_313] {strides = array<i32>} : memref<1024xf32, #tpu.memory_space<vmem>>, vector<16xf32>,
    %get3A_315 = arith.constant 400 : index
    %get3A_316 = tpu.vector_load %arg8[%get3A_315] {strides = array<i32>} : memref<1024xf32, #tpu.memory_space<vmem>>, vector<16xf32>,
    %sub3A_317 = arith.subf %get3A_314, %get3A_316 : vector<16xf32>
    %mul3A_318 = arith.mulf %sub3A_317, %convert_element_type3A_312 : vector<16xf32>
    %mul3A_319 = arith.mulf %mul3A_318, %mul3A_318 : vector<16xf32>
    %add3A_320 = arith.addf %add3A_308, %mul3A_319 : vector<16xf32>
    %add3A_321 = arith.addf %add3A_309, %convert_element_type3A_312 : vector<16xf32>
    %get3A_322 = arith.constant 416 : index
    %get3A_323 = tpu.vector_load %arg7[%get3A_322] {strides = array<i32>} : memref<1024xi32, #tpu.memory_space<vmem>>, vector<16xi32>,
    %convert_element_type3A_324 = arith.sitofp %get3A_323 : vector<16xi32> to vector<16xf32>
    %get3A_325 = arith.constant 416 : index
    %get3A_326 = tpu.vector_load %arg6[%get3A_325] {strides = array<i32>} : memref<1024xf32, #tpu.memory_space<vmem>>, vector<16xf32>,
    %get3A_327 = arith.constant 416 : index
    %get3A_328 = tpu.vector_load %arg8[%get3A_327] {strides = array<i32>} : memref<1024xf32, #tpu.memory_space<vmem>>, vector<16xf32>,
    %sub3A_329 = arith.subf %get3A_326, %get3A_328 : vector<16xf32>
    %mul3A_330 = arith.mulf %sub3A_329, %convert_element_type3A_324 : vector<16xf32>
    %mul3A_331 = arith.mulf %mul3A_330, %mul3A_330 : vector<16xf32>
    %add3A_332 = arith.addf %add3A_320, %mul3A_331 : vector<16xf32>
    %add3A_333 = arith.addf %add3A_321, %convert_element_type3A_324 : vector<16xf32>
    %get3A_334 = arith.constant 432 : index
    %get3A_335 = tpu.vector_load %arg7[%get3A_334] {strides = array<i32>} : memref<1024xi32, #tpu.memory_space<vmem>>, vector<16xi32>,
    %convert_element_type3A_336 = arith.sitofp %get3A_335 : vector<16xi32> to vector<16xf32>
    %get3A_337 = arith.constant 432 : index
    %get3A_338 = tpu.vector_load %arg6[%get3A_337] {strides = array<i32>} : memref<1024xf32, #tpu.memory_space<vmem>>, vector<16xf32>,
    %get3A_339 = arith.constant 432 : index
    %get3A_340 = tpu.vector_load %arg8[%get3A_339] {strides = array<i32>} : memref<1024xf32, #tpu.memory_space<vmem>>, vector<16xf32>,
    %sub3A_341 = arith.subf %get3A_338, %get3A_340 : vector<16xf32>
    %mul3A_342 = arith.mulf %sub3A_341, %convert_element_type3A_336 : vector<16xf32>
    %mul3A_343 = arith.mulf %mul3A_342, %mul3A_342 : vector<16xf32>
    %add3A_344 = arith.addf %add3A_332, %mul3A_343 : vector<16xf32>
    %add3A_345 = arith.addf %add3A_333, %convert_element_type3A_336 : vector<16xf32>
    %get3A_346 = arith.constant 448 : index
    %get3A_347 = tpu.vector_load %arg7[%get3A_346] {strides = array<i32>} : memref<1024xi32, #tpu.memory_space<vmem>>, vector<16xi32>,
    %convert_element_type3A_348 = arith.sitofp %get3A_347 : vector<16xi32> to vector<16xf32>
    %get3A_349 = arith.constant 448 : index
    %get3A_350 = tpu.vector_load %arg6[%get3A_349] {strides = array<i32>} : memref<1024xf32, #tpu.memory_space<vmem>>, vector<16xf32>,
    %get3A_351 = arith.constant 448 : index
    %get3A_352 = tpu.vector_load %arg8[%get3A_351] {strides = array<i32>} : memref<1024xf32, #tpu.memory_space<vmem>>, vector<16xf32>,
    %sub3A_353 = arith.subf %get3A_350, %get3A_352 : vector<16xf32>
    %mul3A_354 = arith.mulf %sub3A_353, %convert_element_type3A_348 : vector<16xf32>
    %mul3A_355 = arith.mulf %mul3A_354, %mul3A_354 : vector<16xf32>
    %add3A_356 = arith.addf %add3A_344, %mul3A_355 : vector<16xf32>
    %add3A_357 = arith.addf %add3A_345, %convert_element_type3A_348 : vector<16xf32>
    %get3A_358 = arith.constant 464 : index
    %get3A_359 = tpu.vector_load %arg7[%get3A_358] {strides = array<i32>} : memref<1024xi32, #tpu.memory_space<vmem>>, vector<16xi32>,
    %convert_element_type3A_360 = arith.sitofp %get3A_359 : vector<16xi32> to vector<16xf32>
    %get3A_361 = arith.constant 464 : index
    %get3A_362 = tpu.vector_load %arg6[%get3A_361] {strides = array<i32>} : memref<1024xf32, #tpu.memory_space<vmem>>, vector<16xf32>,
    %get3A_363 = arith.constant 464 : index
    %get3A_364 = tpu.vector_load %arg8[%get3A_363] {strides = array<i32>} : memref<1024xf32, #tpu.memory_space<vmem>>, vector<16xf32>,
    %sub3A_365 = arith.subf %get3A_362, %get3A_364 : vector<16xf32>
    %mul3A_366 = arith.mulf %sub3A_365, %convert_element_type3A_360 : vector<16xf32>
    %mul3A_367 = arith.mulf %mul3A_366, %mul3A_366 : vector<16xf32>
    %add3A_368 = arith.addf %add3A_356, %mul3A_367 : vector<16xf32>
    %add3A_369 = arith.addf %add3A_357, %convert_element_type3A_360 : vector<16xf32>
    %get3A_370 = arith.constant 480 : index
    %get3A_371 = tpu.vector_load %arg7[%get3A_370] {strides = array<i32>} : memref<1024xi32, #tpu.memory_space<vmem>>, vector<16xi32>,
    %convert_element_type3A_372 = arith.sitofp %get3A_371 : vector<16xi32> to vector<16xf32>
    %get3A_373 = arith.constant 480 : index
    %get3A_374 = tpu.vector_load %arg6[%get3A_373] {strides = array<i32>} : memref<1024xf32, #tpu.memory_space<vmem>>, vector<16xf32>,
    %get3A_375 = arith.constant 480 : index
    %get3A_376 = tpu.vector_load %arg8[%get3A_375] {strides = array<i32>} : memref<1024xf32, #tpu.memory_space<vmem>>, vector<16xf32>,
    %sub3A_377 = arith.subf %get3A_374, %get3A_376 : vector<16xf32>
    %mul3A_378 = arith.mulf %sub3A_377, %convert_element_type3A_372 : vector<16xf32>
    %mul3A_379 = arith.mulf %mul3A_378, %mul3A_378 : vector<16xf32>
    %add3A_380 = arith.addf %add3A_368, %mul3A_379 : vector<16xf32>
    %add3A_381 = arith.addf %add3A_369, %convert_element_type3A_372 : vector<16xf32>
    %get3A_382 = arith.constant 496 : index
    %get3A_383 = tpu.vector_load %arg7[%get3A_382] {strides = array<i32>} : memref<1024xi32, #tpu.memory_space<vmem>>, vector<16xi32>,
    %convert_element_type3A_384 = arith.sitofp %get3A_383 : vector<16xi32> to vector<16xf32>
    %get3A_385 = arith.constant 496 : index
    %get3A_386 = tpu.vector_load %arg6[%get3A_385] {strides = array<i32>} : memref<1024xf32, #tpu.memory_space<vmem>>, vector<16xf32>,
    %get3A_387 = arith.constant 496 : index
    %get3A_388 = tpu.vector_load %arg8[%get3A_387] {strides = array<i32>} : memref<1024xf32, #tpu.memory_space<vmem>>, vector<16xf32>,
    %sub3A_389 = arith.subf %get3A_386, %get3A_388 : vector<16xf32>
    %mul3A_390 = arith.mulf %sub3A_389, %convert_element_type3A_384 : vector<16xf32>
    %mul3A_391 = arith.mulf %mul3A_390, %mul3A_390 : vector<16xf32>
    %add3A_392 = arith.addf %add3A_380, %mul3A_391 : vector<16xf32>
    %add3A_393 = arith.addf %add3A_381, %convert_element_type3A_384 : vector<16xf32>
    %get3A_394 = arith.constant 512 : index
    %get3A_395 = tpu.vector_load %arg7[%get3A_394] {strides = array<i32>} : memref<1024xi32, #tpu.memory_space<vmem>>, vector<16xi32>,
    %convert_element_type3A_396 = arith.sitofp %get3A_395 : vector<16xi32> to vector<16xf32>
    %get3A_397 = arith.constant 512 : index
    %get3A_398 = tpu.vector_load %arg6[%get3A_397] {strides = array<i32>} : memref<1024xf32, #tpu.memory_space<vmem>>, vector<16xf32>,
    %get3A_399 = arith.constant 512 : index
    %get3A_400 = tpu.vector_load %arg8[%get3A_399] {strides = array<i32>} : memref<1024xf32, #tpu.memory_space<vmem>>, vector<16xf32>,
    %sub3A_401 = arith.subf %get3A_398, %get3A_400 : vector<16xf32>
    %mul3A_402 = arith.mulf %sub3A_401, %convert_element_type3A_396 : vector<16xf32>
    %mul3A_403 = arith.mulf %mul3A_402, %mul3A_402 : vector<16xf32>
    %add3A_404 = arith.addf %add3A_392, %mul3A_403 : vector<16xf32>
    %add3A_405 = arith.addf %add3A_393, %convert_element_type3A_396 : vector<16xf32>
    %get3A_406 = arith.constant 528 : index
    %get3A_407 = tpu.vector_load %arg7[%get3A_406] {strides = array<i32>} : memref<1024xi32, #tpu.memory_space<vmem>>, vector<16xi32>,
    %convert_element_type3A_408 = arith.sitofp %get3A_407 : vector<16xi32> to vector<16xf32>
    %get3A_409 = arith.constant 528 : index
    %get3A_410 = tpu.vector_load %arg6[%get3A_409] {strides = array<i32>} : memref<1024xf32, #tpu.memory_space<vmem>>, vector<16xf32>,
    %get3A_411 = arith.constant 528 : index
    %get3A_412 = tpu.vector_load %arg8[%get3A_411] {strides = array<i32>} : memref<1024xf32, #tpu.memory_space<vmem>>, vector<16xf32>,
    %sub3A_413 = arith.subf %get3A_410, %get3A_412 : vector<16xf32>
    %mul3A_414 = arith.mulf %sub3A_413, %convert_element_type3A_408 : vector<16xf32>
    %mul3A_415 = arith.mulf %mul3A_414, %mul3A_414 : vector<16xf32>
    %add3A_416 = arith.addf %add3A_404, %mul3A_415 : vector<16xf32>
    %add3A_417 = arith.addf %add3A_405, %convert_element_type3A_408 : vector<16xf32>
    %get3A_418 = arith.constant 544 : index
    %get3A_419 = tpu.vector_load %arg7[%get3A_418] {strides = array<i32>} : memref<1024xi32, #tpu.memory_space<vmem>>, vector<16xi32>,
    %convert_element_type3A_420 = arith.sitofp %get3A_419 : vector<16xi32> to vector<16xf32>
    %get3A_421 = arith.constant 544 : index
    %get3A_422 = tpu.vector_load %arg6[%get3A_421] {strides = array<i32>} : memref<1024xf32, #tpu.memory_space<vmem>>, vector<16xf32>,
    %get3A_423 = arith.constant 544 : index
    %get3A_424 = tpu.vector_load %arg8[%get3A_423] {strides = array<i32>} : memref<1024xf32, #tpu.memory_space<vmem>>, vector<16xf32>,
    %sub3A_425 = arith.subf %get3A_422, %get3A_424 : vector<16xf32>
    %mul3A_426 = arith.mulf %sub3A_425, %convert_element_type3A_420 : vector<16xf32>
    %mul3A_427 = arith.mulf %mul3A_426, %mul3A_426 : vector<16xf32>
    %add3A_428 = arith.addf %add3A_416, %mul3A_427 : vector<16xf32>
    %add3A_429 = arith.addf %add3A_417, %convert_element_type3A_420 : vector<16xf32>
    %get3A_430 = arith.constant 560 : index
    %get3A_431 = tpu.vector_load %arg7[%get3A_430] {strides = array<i32>} : memref<1024xi32, #tpu.memory_space<vmem>>, vector<16xi32>,
    %convert_element_type3A_432 = arith.sitofp %get3A_431 : vector<16xi32> to vector<16xf32>
    %get3A_433 = arith.constant 560 : index
    %get3A_434 = tpu.vector_load %arg6[%get3A_433] {strides = array<i32>} : memref<1024xf32, #tpu.memory_space<vmem>>, vector<16xf32>,
    %get3A_435 = arith.constant 560 : index
    %get3A_436 = tpu.vector_load %arg8[%get3A_435] {strides = array<i32>} : memref<1024xf32, #tpu.memory_space<vmem>>, vector<16xf32>,
    %sub3A_437 = arith.subf %get3A_434, %get3A_436 : vector<16xf32>
    %mul3A_438 = arith.mulf %sub3A_437, %convert_element_type3A_432 : vector<16xf32>
    %mul3A_439 = arith.mulf %mul3A_438, %mul3A_438 : vector<16xf32>
    %add3A_440 = arith.addf %add3A_428, %mul3A_439 : vector<16xf32>
    %add3A_441 = arith.addf %add3A_429, %convert_element_type3A_432 : vector<16xf32>
    %get3A_442 = arith.constant 576 : index
    %get3A_443 = tpu.vector_load %arg7[%get3A_442] {strides = array<i32>} : memref<1024xi32, #tpu.memory_space<vmem>>, vector<16xi32>,
    %convert_element_type3A_444 = arith.sitofp %get3A_443 : vector<16xi32> to vector<16xf32>
    %get3A_445 = arith.constant 576 : index
    %get3A_446 = tpu.vector_load %arg6[%get3A_445] {strides = array<i32>} : memref<1024xf32, #tpu.memory_space<vmem>>, vector<16xf32>,
    %get3A_447 = arith.constant 576 : index
    %get3A_448 = tpu.vector_load %arg8[%get3A_447] {strides = array<i32>} : memref<1024xf32, #tpu.memory_space<vmem>>, vector<16xf32>,
    %sub3A_449 = arith.subf %get3A_446, %get3A_448 : vector<16xf32>
    %mul3A_450 = arith.mulf %sub3A_449, %convert_element_type3A_444 : vector<16xf32>
    %mul3A_451 = arith.mulf %mul3A_450, %mul3A_450 : vector<16xf32>
    %add3A_452 = arith.addf %add3A_440, %mul3A_451 : vector<16xf32>
    %add3A_453 = arith.addf %add3A_441, %convert_element_type3A_444 : vector<16xf32>
    %get3A_454 = arith.constant 592 : index
    %get3A_455 = tpu.vector_load %arg7[%get3A_454] {strides = array<i32>} : memref<1024xi32, #tpu.memory_space<vmem>>, vector<16xi32>,
    %convert_element_type3A_456 = arith.sitofp %get3A_455 : vector<16xi32> to vector<16xf32>
    %get3A_457 = arith.constant 592 : index
    %get3A_458 = tpu.vector_load %arg6[%get3A_457] {strides = array<i32>} : memref<1024xf32, #tpu.memory_space<vmem>>, vector<16xf32>,
    %get3A_459 = arith.constant 592 : index
    %get3A_460 = tpu.vector_load %arg8[%get3A_459] {strides = array<i32>} : memref<1024xf32, #tpu.memory_space<vmem>>, vector<16xf32>,
    %sub3A_461 = arith.subf %get3A_458, %get3A_460 : vector<16xf32>
    %mul3A_462 = arith.mulf %sub3A_461, %convert_element_type3A_456 : vector<16xf32>
    %mul3A_463 = arith.mulf %mul3A_462, %mul3A_462 : vector<16xf32>
    %add3A_464 = arith.addf %add3A_452, %mul3A_463 : vector<16xf32>
    %add3A_465 = arith.addf %add3A_453, %convert_element_type3A_456 : vector<16xf32>
    %get3A_466 = arith.constant 608 : index
    %get3A_467 = tpu.vector_load %arg7[%get3A_466] {strides = array<i32>} : memref<1024xi32, #tpu.memory_space<vmem>>, vector<16xi32>,
    %convert_element_type3A_468 = arith.sitofp %get3A_467 : vector<16xi32> to vector<16xf32>
    %get3A_469 = arith.constant 608 : index
    %get3A_470 = tpu.vector_load %arg6[%get3A_469] {strides = array<i32>} : memref<1024xf32, #tpu.memory_space<vmem>>, vector<16xf32>,
    %get3A_471 = arith.constant 608 : index
    %get3A_472 = tpu.vector_load %arg8[%get3A_471] {strides = array<i32>} : memref<1024xf32, #tpu.memory_space<vmem>>, vector<16xf32>,
    %sub3A_473 = arith.subf %get3A_470, %get3A_472 : vector<16xf32>
    %mul3A_474 = arith.mulf %sub3A_473, %convert_element_type3A_468 : vector<16xf32>
    %mul3A_475 = arith.mulf %mul3A_474, %mul3A_474 : vector<16xf32>
    %add3A_476 = arith.addf %add3A_464, %mul3A_475 : vector<16xf32>
    %add3A_477 = arith.addf %add3A_465, %convert_element_type3A_468 : vector<16xf32>
    %get3A_478 = arith.constant 624 : index
    %get3A_479 = tpu.vector_load %arg7[%get3A_478] {strides = array<i32>} : memref<1024xi32, #tpu.memory_space<vmem>>, vector<16xi32>,
    %convert_element_type3A_480 = arith.sitofp %get3A_479 : vector<16xi32> to vector<16xf32>
    %get3A_481 = arith.constant 624 : index
    %get3A_482 = tpu.vector_load %arg6[%get3A_481] {strides = array<i32>} : memref<1024xf32, #tpu.memory_space<vmem>>, vector<16xf32>,
    %get3A_483 = arith.constant 624 : index
    %get3A_484 = tpu.vector_load %arg8[%get3A_483] {strides = array<i32>} : memref<1024xf32, #tpu.memory_space<vmem>>, vector<16xf32>,
    %sub3A_485 = arith.subf %get3A_482, %get3A_484 : vector<16xf32>
    %mul3A_486 = arith.mulf %sub3A_485, %convert_element_type3A_480 : vector<16xf32>
    %mul3A_487 = arith.mulf %mul3A_486, %mul3A_486 : vector<16xf32>
    %add3A_488 = arith.addf %add3A_476, %mul3A_487 : vector<16xf32>
    %add3A_489 = arith.addf %add3A_477, %convert_element_type3A_480 : vector<16xf32>
    %get3A_490 = arith.constant 640 : index
    %get3A_491 = tpu.vector_load %arg7[%get3A_490] {strides = array<i32>} : memref<1024xi32, #tpu.memory_space<vmem>>, vector<16xi32>,
    %convert_element_type3A_492 = arith.sitofp %get3A_491 : vector<16xi32> to vector<16xf32>
    %get3A_493 = arith.constant 640 : index
    %get3A_494 = tpu.vector_load %arg6[%get3A_493] {strides = array<i32>} : memref<1024xf32, #tpu.memory_space<vmem>>, vector<16xf32>,
    %get3A_495 = arith.constant 640 : index
    %get3A_496 = tpu.vector_load %arg8[%get3A_495] {strides = array<i32>} : memref<1024xf32, #tpu.memory_space<vmem>>, vector<16xf32>,
    %sub3A_497 = arith.subf %get3A_494, %get3A_496 : vector<16xf32>
    %mul3A_498 = arith.mulf %sub3A_497, %convert_element_type3A_492 : vector<16xf32>
    %mul3A_499 = arith.mulf %mul3A_498, %mul3A_498 : vector<16xf32>
    %add3A_500 = arith.addf %add3A_488, %mul3A_499 : vector<16xf32>
    %add3A_501 = arith.addf %add3A_489, %convert_element_type3A_492 : vector<16xf32>
    %get3A_502 = arith.constant 656 : index
    %get3A_503 = tpu.vector_load %arg7[%get3A_502] {strides = array<i32>} : memref<1024xi32, #tpu.memory_space<vmem>>, vector<16xi32>,
    %convert_element_type3A_504 = arith.sitofp %get3A_503 : vector<16xi32> to vector<16xf32>
    %get3A_505 = arith.constant 656 : index
    %get3A_506 = tpu.vector_load %arg6[%get3A_505] {strides = array<i32>} : memref<1024xf32, #tpu.memory_space<vmem>>, vector<16xf32>,
    %get3A_507 = arith.constant 656 : index
    %get3A_508 = tpu.vector_load %arg8[%get3A_507] {strides = array<i32>} : memref<1024xf32, #tpu.memory_space<vmem>>, vector<16xf32>,
    %sub3A_509 = arith.subf %get3A_506, %get3A_508 : vector<16xf32>
    %mul3A_510 = arith.mulf %sub3A_509, %convert_element_type3A_504 : vector<16xf32>
    %mul3A_511 = arith.mulf %mul3A_510, %mul3A_510 : vector<16xf32>
    %add3A_512 = arith.addf %add3A_500, %mul3A_511 : vector<16xf32>
    %add3A_513 = arith.addf %add3A_501, %convert_element_type3A_504 : vector<16xf32>
    %get3A_514 = arith.constant 672 : index
    %get3A_515 = tpu.vector_load %arg7[%get3A_514] {strides = array<i32>} : memref<1024xi32, #tpu.memory_space<vmem>>, vector<16xi32>,
    %convert_element_type3A_516 = arith.sitofp %get3A_515 : vector<16xi32> to vector<16xf32>
    %get3A_517 = arith.constant 672 : index
    %get3A_518 = tpu.vector_load %arg6[%get3A_517] {strides = array<i32>} : memref<1024xf32, #tpu.memory_space<vmem>>, vector<16xf32>,
    %get3A_519 = arith.constant 672 : index
    %get3A_520 = tpu.vector_load %arg8[%get3A_519] {strides = array<i32>} : memref<1024xf32, #tpu.memory_space<vmem>>, vector<16xf32>,
    %sub3A_521 = arith.subf %get3A_518, %get3A_520 : vector<16xf32>
    %mul3A_522 = arith.mulf %sub3A_521, %convert_element_type3A_516 : vector<16xf32>
    %mul3A_523 = arith.mulf %mul3A_522, %mul3A_522 : vector<16xf32>
    %add3A_524 = arith.addf %add3A_512, %mul3A_523 : vector<16xf32>
    %add3A_525 = arith.addf %add3A_513, %convert_element_type3A_516 : vector<16xf32>
    %get3A_526 = arith.constant 688 : index
    %get3A_527 = tpu.vector_load %arg7[%get3A_526] {strides = array<i32>} : memref<1024xi32, #tpu.memory_space<vmem>>, vector<16xi32>,
    %convert_element_type3A_528 = arith.sitofp %get3A_527 : vector<16xi32> to vector<16xf32>
    %get3A_529 = arith.constant 688 : index
    %get3A_530 = tpu.vector_load %arg6[%get3A_529] {strides = array<i32>} : memref<1024xf32, #tpu.memory_space<vmem>>, vector<16xf32>,
    %get3A_531 = arith.constant 688 : index
    %get3A_532 = tpu.vector_load %arg8[%get3A_531] {strides = array<i32>} : memref<1024xf32, #tpu.memory_space<vmem>>, vector<16xf32>,
    %sub3A_533 = arith.subf %get3A_530, %get3A_532 : vector<16xf32>
    %mul3A_534 = arith.mulf %sub3A_533, %convert_element_type3A_528 : vector<16xf32>
    %mul3A_535 = arith.mulf %mul3A_534, %mul3A_534 : vector<16xf32>
    %add3A_536 = arith.addf %add3A_524, %mul3A_535 : vector<16xf32>
    %add3A_537 = arith.addf %add3A_525, %convert_element_type3A_528 : vector<16xf32>
    %get3A_538 = arith.constant 704 : index
    %get3A_539 = tpu.vector_load %arg7[%get3A_538] {strides = array<i32>} : memref<1024xi32, #tpu.memory_space<vmem>>, vector<16xi32>,
    %convert_element_type3A_540 = arith.sitofp %get3A_539 : vector<16xi32> to vector<16xf32>
    %get3A_541 = arith.constant 704 : index
    %get3A_542 = tpu.vector_load %arg6[%get3A_541] {strides = array<i32>} : memref<1024xf32, #tpu.memory_space<vmem>>, vector<16xf32>,
    %get3A_543 = arith.constant 704 : index
    %get3A_544 = tpu.vector_load %arg8[%get3A_543] {strides = array<i32>} : memref<1024xf32, #tpu.memory_space<vmem>>, vector<16xf32>,
    %sub3A_545 = arith.subf %get3A_542, %get3A_544 : vector<16xf32>
    %mul3A_546 = arith.mulf %sub3A_545, %convert_element_type3A_540 : vector<16xf32>
    %mul3A_547 = arith.mulf %mul3A_546, %mul3A_546 : vector<16xf32>
    %add3A_548 = arith.addf %add3A_536, %mul3A_547 : vector<16xf32>
    %add3A_549 = arith.addf %add3A_537, %convert_element_type3A_540 : vector<16xf32>
    %get3A_550 = arith.constant 720 : index
    %get3A_551 = tpu.vector_load %arg7[%get3A_550] {strides = array<i32>} : memref<1024xi32, #tpu.memory_space<vmem>>, vector<16xi32>,
    %convert_element_type3A_552 = arith.sitofp %get3A_551 : vector<16xi32> to vector<16xf32>
    %get3A_553 = arith.constant 720 : index
    %get3A_554 = tpu.vector_load %arg6[%get3A_553] {strides = array<i32>} : memref<1024xf32, #tpu.memory_space<vmem>>, vector<16xf32>,
    %get3A_555 = arith.constant 720 : index
    %get3A_556 = tpu.vector_load %arg8[%get3A_555] {strides = array<i32>} : memref<1024xf32, #tpu.memory_space<vmem>>, vector<16xf32>,
    %sub3A_557 = arith.subf %get3A_554, %get3A_556 : vector<16xf32>
    %mul3A_558 = arith.mulf %sub3A_557, %convert_element_type3A_552 : vector<16xf32>
    %mul3A_559 = arith.mulf %mul3A_558, %mul3A_558 : vector<16xf32>
    %add3A_560 = arith.addf %add3A_548, %mul3A_559 : vector<16xf32>
    %add3A_561 = arith.addf %add3A_549, %convert_element_type3A_552 : vector<16xf32>
    %get3A_562 = arith.constant 736 : index
    %get3A_563 = tpu.vector_load %arg7[%get3A_562] {strides = array<i32>} : memref<1024xi32, #tpu.memory_space<vmem>>, vector<16xi32>,
    %convert_element_type3A_564 = arith.sitofp %get3A_563 : vector<16xi32> to vector<16xf32>
    %get3A_565 = arith.constant 736 : index
    %get3A_566 = tpu.vector_load %arg6[%get3A_565] {strides = array<i32>} : memref<1024xf32, #tpu.memory_space<vmem>>, vector<16xf32>,
    %get3A_567 = arith.constant 736 : index
    %get3A_568 = tpu.vector_load %arg8[%get3A_567] {strides = array<i32>} : memref<1024xf32, #tpu.memory_space<vmem>>, vector<16xf32>,
    %sub3A_569 = arith.subf %get3A_566, %get3A_568 : vector<16xf32>
    %mul3A_570 = arith.mulf %sub3A_569, %convert_element_type3A_564 : vector<16xf32>
    %mul3A_571 = arith.mulf %mul3A_570, %mul3A_570 : vector<16xf32>
    %add3A_572 = arith.addf %add3A_560, %mul3A_571 : vector<16xf32>
    %add3A_573 = arith.addf %add3A_561, %convert_element_type3A_564 : vector<16xf32>
    %get3A_574 = arith.constant 752 : index
    %get3A_575 = tpu.vector_load %arg7[%get3A_574] {strides = array<i32>} : memref<1024xi32, #tpu.memory_space<vmem>>, vector<16xi32>,
    %convert_element_type3A_576 = arith.sitofp %get3A_575 : vector<16xi32> to vector<16xf32>
    %get3A_577 = arith.constant 752 : index
    %get3A_578 = tpu.vector_load %arg6[%get3A_577] {strides = array<i32>} : memref<1024xf32, #tpu.memory_space<vmem>>, vector<16xf32>,
    %get3A_579 = arith.constant 752 : index
    %get3A_580 = tpu.vector_load %arg8[%get3A_579] {strides = array<i32>} : memref<1024xf32, #tpu.memory_space<vmem>>, vector<16xf32>,
    %sub3A_581 = arith.subf %get3A_578, %get3A_580 : vector<16xf32>
    %mul3A_582 = arith.mulf %sub3A_581, %convert_element_type3A_576 : vector<16xf32>
    %mul3A_583 = arith.mulf %mul3A_582, %mul3A_582 : vector<16xf32>
    %add3A_584 = arith.addf %add3A_572, %mul3A_583 : vector<16xf32>
    %add3A_585 = arith.addf %add3A_573, %convert_element_type3A_576 : vector<16xf32>
    %get3A_586 = arith.constant 768 : index
    %get3A_587 = tpu.vector_load %arg7[%get3A_586] {strides = array<i32>} : memref<1024xi32, #tpu.memory_space<vmem>>, vector<16xi32>,
    %convert_element_type3A_588 = arith.sitofp %get3A_587 : vector<16xi32> to vector<16xf32>
    %get3A_589 = arith.constant 768 : index
    %get3A_590 = tpu.vector_load %arg6[%get3A_589] {strides = array<i32>} : memref<1024xf32, #tpu.memory_space<vmem>>, vector<16xf32>,
    %get3A_591 = arith.constant 768 : index
    %get3A_592 = tpu.vector_load %arg8[%get3A_591] {strides = array<i32>} : memref<1024xf32, #tpu.memory_space<vmem>>, vector<16xf32>,
    %sub3A_593 = arith.subf %get3A_590, %get3A_592 : vector<16xf32>
    %mul3A_594 = arith.mulf %sub3A_593, %convert_element_type3A_588 : vector<16xf32>
    %mul3A_595 = arith.mulf %mul3A_594, %mul3A_594 : vector<16xf32>
    %add3A_596 = arith.addf %add3A_584, %mul3A_595 : vector<16xf32>
    %add3A_597 = arith.addf %add3A_585, %convert_element_type3A_588 : vector<16xf32>
    %get3A_598 = arith.constant 784 : index
    %get3A_599 = tpu.vector_load %arg7[%get3A_598] {strides = array<i32>} : memref<1024xi32, #tpu.memory_space<vmem>>, vector<16xi32>,
    %convert_element_type3A_600 = arith.sitofp %get3A_599 : vector<16xi32> to vector<16xf32>
    %get3A_601 = arith.constant 784 : index
    %get3A_602 = tpu.vector_load %arg6[%get3A_601] {strides = array<i32>} : memref<1024xf32, #tpu.memory_space<vmem>>, vector<16xf32>,
    %get3A_603 = arith.constant 784 : index
    %get3A_604 = tpu.vector_load %arg8[%get3A_603] {strides = array<i32>} : memref<1024xf32, #tpu.memory_space<vmem>>, vector<16xf32>,
    %sub3A_605 = arith.subf %get3A_602, %get3A_604 : vector<16xf32>
    %mul3A_606 = arith.mulf %sub3A_605, %convert_element_type3A_600 : vector<16xf32>
    %mul3A_607 = arith.mulf %mul3A_606, %mul3A_606 : vector<16xf32>
    %add3A_608 = arith.addf %add3A_596, %mul3A_607 : vector<16xf32>
    %add3A_609 = arith.addf %add3A_597, %convert_element_type3A_600 : vector<16xf32>
    %get3A_610 = arith.constant 800 : index
    %get3A_611 = tpu.vector_load %arg7[%get3A_610] {strides = array<i32>} : memref<1024xi32, #tpu.memory_space<vmem>>, vector<16xi32>,
    %convert_element_type3A_612 = arith.sitofp %get3A_611 : vector<16xi32> to vector<16xf32>
    %get3A_613 = arith.constant 800 : index
    %get3A_614 = tpu.vector_load %arg6[%get3A_613] {strides = array<i32>} : memref<1024xf32, #tpu.memory_space<vmem>>, vector<16xf32>,
    %get3A_615 = arith.constant 800 : index
    %get3A_616 = tpu.vector_load %arg8[%get3A_615] {strides = array<i32>} : memref<1024xf32, #tpu.memory_space<vmem>>, vector<16xf32>,
    %sub3A_617 = arith.subf %get3A_614, %get3A_616 : vector<16xf32>
    %mul3A_618 = arith.mulf %sub3A_617, %convert_element_type3A_612 : vector<16xf32>
    %mul3A_619 = arith.mulf %mul3A_618, %mul3A_618 : vector<16xf32>
    %add3A_620 = arith.addf %add3A_608, %mul3A_619 : vector<16xf32>
    %add3A_621 = arith.addf %add3A_609, %convert_element_type3A_612 : vector<16xf32>
    %get3A_622 = arith.constant 816 : index
    %get3A_623 = tpu.vector_load %arg7[%get3A_622] {strides = array<i32>} : memref<1024xi32, #tpu.memory_space<vmem>>, vector<16xi32>,
    %convert_element_type3A_624 = arith.sitofp %get3A_623 : vector<16xi32> to vector<16xf32>
    %get3A_625 = arith.constant 816 : index
    %get3A_626 = tpu.vector_load %arg6[%get3A_625] {strides = array<i32>} : memref<1024xf32, #tpu.memory_space<vmem>>, vector<16xf32>,
    %get3A_627 = arith.constant 816 : index
    %get3A_628 = tpu.vector_load %arg8[%get3A_627] {strides = array<i32>} : memref<1024xf32, #tpu.memory_space<vmem>>, vector<16xf32>,
    %sub3A_629 = arith.subf %get3A_626, %get3A_628 : vector<16xf32>
    %mul3A_630 = arith.mulf %sub3A_629, %convert_element_type3A_624 : vector<16xf32>
    %mul3A_631 = arith.mulf %mul3A_630, %mul3A_630 : vector<16xf32>
    %add3A_632 = arith.addf %add3A_620, %mul3A_631 : vector<16xf32>
    %add3A_633 = arith.addf %add3A_621, %convert_element_type3A_624 : vector<16xf32>
    %get3A_634 = arith.constant 832 : index
    %get3A_635 = tpu.vector_load %arg7[%get3A_634] {strides = array<i32>} : memref<1024xi32, #tpu.memory_space<vmem>>, vector<16xi32>,
    %convert_element_type3A_636 = arith.sitofp %get3A_635 : vector<16xi32> to vector<16xf32>
    %get3A_637 = arith.constant 832 : index
    %get3A_638 = tpu.vector_load %arg6[%get3A_637] {strides = array<i32>} : memref<1024xf32, #tpu.memory_space<vmem>>, vector<16xf32>,
    %get3A_639 = arith.constant 832 : index
    %get3A_640 = tpu.vector_load %arg8[%get3A_639] {strides = array<i32>} : memref<1024xf32, #tpu.memory_space<vmem>>, vector<16xf32>,
    %sub3A_641 = arith.subf %get3A_638, %get3A_640 : vector<16xf32>
    %mul3A_642 = arith.mulf %sub3A_641, %convert_element_type3A_636 : vector<16xf32>
    %mul3A_643 = arith.mulf %mul3A_642, %mul3A_642 : vector<16xf32>
    %add3A_644 = arith.addf %add3A_632, %mul3A_643 : vector<16xf32>
    %add3A_645 = arith.addf %add3A_633, %convert_element_type3A_636 : vector<16xf32>
    %get3A_646 = arith.constant 848 : index
    %get3A_647 = tpu.vector_load %arg7[%get3A_646] {strides = array<i32>} : memref<1024xi32, #tpu.memory_space<vmem>>, vector<16xi32>,
    %convert_element_type3A_648 = arith.sitofp %get3A_647 : vector<16xi32> to vector<16xf32>
    %get3A_649 = arith.constant 848 : index
    %get3A_650 = tpu.vector_load %arg6[%get3A_649] {strides = array<i32>} : memref<1024xf32, #tpu.memory_space<vmem>>, vector<16xf32>,
    %get3A_651 = arith.constant 848 : index
    %get3A_652 = tpu.vector_load %arg8[%get3A_651] {strides = array<i32>} : memref<1024xf32, #tpu.memory_space<vmem>>, vector<16xf32>,
    %sub3A_653 = arith.subf %get3A_650, %get3A_652 : vector<16xf32>
    %mul3A_654 = arith.mulf %sub3A_653, %convert_element_type3A_648 : vector<16xf32>
    %mul3A_655 = arith.mulf %mul3A_654, %mul3A_654 : vector<16xf32>
    %add3A_656 = arith.addf %add3A_644, %mul3A_655 : vector<16xf32>
    %add3A_657 = arith.addf %add3A_645, %convert_element_type3A_648 : vector<16xf32>
    %get3A_658 = arith.constant 864 : index
    %get3A_659 = tpu.vector_load %arg7[%get3A_658] {strides = array<i32>} : memref<1024xi32, #tpu.memory_space<vmem>>, vector<16xi32>,
    %convert_element_type3A_660 = arith.sitofp %get3A_659 : vector<16xi32> to vector<16xf32>
    %get3A_661 = arith.constant 864 : index
    %get3A_662 = tpu.vector_load %arg6[%get3A_661] {strides = array<i32>} : memref<1024xf32, #tpu.memory_space<vmem>>, vector<16xf32>,
    %get3A_663 = arith.constant 864 : index
    %get3A_664 = tpu.vector_load %arg8[%get3A_663] {strides = array<i32>} : memref<1024xf32, #tpu.memory_space<vmem>>, vector<16xf32>,
    %sub3A_665 = arith.subf %get3A_662, %get3A_664 : vector<16xf32>
    %mul3A_666 = arith.mulf %sub3A_665, %convert_element_type3A_660 : vector<16xf32>
    %mul3A_667 = arith.mulf %mul3A_666, %mul3A_666 : vector<16xf32>
    %add3A_668 = arith.addf %add3A_656, %mul3A_667 : vector<16xf32>
    %add3A_669 = arith.addf %add3A_657, %convert_element_type3A_660 : vector<16xf32>
    %get3A_670 = arith.constant 880 : index
    %get3A_671 = tpu.vector_load %arg7[%get3A_670] {strides = array<i32>} : memref<1024xi32, #tpu.memory_space<vmem>>, vector<16xi32>,
    %convert_element_type3A_672 = arith.sitofp %get3A_671 : vector<16xi32> to vector<16xf32>
    %get3A_673 = arith.constant 880 : index
    %get3A_674 = tpu.vector_load %arg6[%get3A_673] {strides = array<i32>} : memref<1024xf32, #tpu.memory_space<vmem>>, vector<16xf32>,
    %get3A_675 = arith.constant 880 : index
    %get3A_676 = tpu.vector_load %arg8[%get3A_675] {strides = array<i32>} : memref<1024xf32, #tpu.memory_space<vmem>>, vector<16xf32>,
    %sub3A_677 = arith.subf %get3A_674, %get3A_676 : vector<16xf32>
    %mul3A_678 = arith.mulf %sub3A_677, %convert_element_type3A_672 : vector<16xf32>
    %mul3A_679 = arith.mulf %mul3A_678, %mul3A_678 : vector<16xf32>
    %add3A_680 = arith.addf %add3A_668, %mul3A_679 : vector<16xf32>
    %add3A_681 = arith.addf %add3A_669, %convert_element_type3A_672 : vector<16xf32>
    %get3A_682 = arith.constant 896 : index
    %get3A_683 = tpu.vector_load %arg7[%get3A_682] {strides = array<i32>} : memref<1024xi32, #tpu.memory_space<vmem>>, vector<16xi32>,
    %convert_element_type3A_684 = arith.sitofp %get3A_683 : vector<16xi32> to vector<16xf32>
    %get3A_685 = arith.constant 896 : index
    %get3A_686 = tpu.vector_load %arg6[%get3A_685] {strides = array<i32>} : memref<1024xf32, #tpu.memory_space<vmem>>, vector<16xf32>,
    %get3A_687 = arith.constant 896 : index
    %get3A_688 = tpu.vector_load %arg8[%get3A_687] {strides = array<i32>} : memref<1024xf32, #tpu.memory_space<vmem>>, vector<16xf32>,
    %sub3A_689 = arith.subf %get3A_686, %get3A_688 : vector<16xf32>
    %mul3A_690 = arith.mulf %sub3A_689, %convert_element_type3A_684 : vector<16xf32>
    %mul3A_691 = arith.mulf %mul3A_690, %mul3A_690 : vector<16xf32>
    %add3A_692 = arith.addf %add3A_680, %mul3A_691 : vector<16xf32>
    %add3A_693 = arith.addf %add3A_681, %convert_element_type3A_684 : vector<16xf32>
    %get3A_694 = arith.constant 912 : index
    %get3A_695 = tpu.vector_load %arg7[%get3A_694] {strides = array<i32>} : memref<1024xi32, #tpu.memory_space<vmem>>, vector<16xi32>,
    %convert_element_type3A_696 = arith.sitofp %get3A_695 : vector<16xi32> to vector<16xf32>
    %get3A_697 = arith.constant 912 : index
    %get3A_698 = tpu.vector_load %arg6[%get3A_697] {strides = array<i32>} : memref<1024xf32, #tpu.memory_space<vmem>>, vector<16xf32>,
    %get3A_699 = arith.constant 912 : index
    %get3A_700 = tpu.vector_load %arg8[%get3A_699] {strides = array<i32>} : memref<1024xf32, #tpu.memory_space<vmem>>, vector<16xf32>,
    %sub3A_701 = arith.subf %get3A_698, %get3A_700 : vector<16xf32>
    %mul3A_702 = arith.mulf %sub3A_701, %convert_element_type3A_696 : vector<16xf32>
    %mul3A_703 = arith.mulf %mul3A_702, %mul3A_702 : vector<16xf32>
    %add3A_704 = arith.addf %add3A_692, %mul3A_703 : vector<16xf32>
    %add3A_705 = arith.addf %add3A_693, %convert_element_type3A_696 : vector<16xf32>
    %get3A_706 = arith.constant 928 : index
    %get3A_707 = tpu.vector_load %arg7[%get3A_706] {strides = array<i32>} : memref<1024xi32, #tpu.memory_space<vmem>>, vector<16xi32>,
    %convert_element_type3A_708 = arith.sitofp %get3A_707 : vector<16xi32> to vector<16xf32>
    %get3A_709 = arith.constant 928 : index
    %get3A_710 = tpu.vector_load %arg6[%get3A_709] {strides = array<i32>} : memref<1024xf32, #tpu.memory_space<vmem>>, vector<16xf32>,
    %get3A_711 = arith.constant 928 : index
    %get3A_712 = tpu.vector_load %arg8[%get3A_711] {strides = array<i32>} : memref<1024xf32, #tpu.memory_space<vmem>>, vector<16xf32>,
    %sub3A_713 = arith.subf %get3A_710, %get3A_712 : vector<16xf32>
    %mul3A_714 = arith.mulf %sub3A_713, %convert_element_type3A_708 : vector<16xf32>
    %mul3A_715 = arith.mulf %mul3A_714, %mul3A_714 : vector<16xf32>
    %add3A_716 = arith.addf %add3A_704, %mul3A_715 : vector<16xf32>
    %add3A_717 = arith.addf %add3A_705, %convert_element_type3A_708 : vector<16xf32>
    %get3A_718 = arith.constant 944 : index
    %get3A_719 = tpu.vector_load %arg7[%get3A_718] {strides = array<i32>} : memref<1024xi32, #tpu.memory_space<vmem>>, vector<16xi32>,
    %convert_element_type3A_720 = arith.sitofp %get3A_719 : vector<16xi32> to vector<16xf32>
    %get3A_721 = arith.constant 944 : index
    %get3A_722 = tpu.vector_load %arg6[%get3A_721] {strides = array<i32>} : memref<1024xf32, #tpu.memory_space<vmem>>, vector<16xf32>,
    %get3A_723 = arith.constant 944 : index
    %get3A_724 = tpu.vector_load %arg8[%get3A_723] {strides = array<i32>} : memref<1024xf32, #tpu.memory_space<vmem>>, vector<16xf32>,
    %sub3A_725 = arith.subf %get3A_722, %get3A_724 : vector<16xf32>
    %mul3A_726 = arith.mulf %sub3A_725, %convert_element_type3A_720 : vector<16xf32>
    %mul3A_727 = arith.mulf %mul3A_726, %mul3A_726 : vector<16xf32>
    %add3A_728 = arith.addf %add3A_716, %mul3A_727 : vector<16xf32>
    %add3A_729 = arith.addf %add3A_717, %convert_element_type3A_720 : vector<16xf32>
    %get3A_730 = arith.constant 960 : index
    %get3A_731 = tpu.vector_load %arg7[%get3A_730] {strides = array<i32>} : memref<1024xi32, #tpu.memory_space<vmem>>, vector<16xi32>,
    %convert_element_type3A_732 = arith.sitofp %get3A_731 : vector<16xi32> to vector<16xf32>
    %get3A_733 = arith.constant 960 : index
    %get3A_734 = tpu.vector_load %arg6[%get3A_733] {strides = array<i32>} : memref<1024xf32, #tpu.memory_space<vmem>>, vector<16xf32>,
    %get3A_735 = arith.constant 960 : index
    %get3A_736 = tpu.vector_load %arg8[%get3A_735] {strides = array<i32>} : memref<1024xf32, #tpu.memory_space<vmem>>, vector<16xf32>,
    %sub3A_737 = arith.subf %get3A_734, %get3A_736 : vector<16xf32>
    %mul3A_738 = arith.mulf %sub3A_737, %convert_element_type3A_732 : vector<16xf32>
    %mul3A_739 = arith.mulf %mul3A_738, %mul3A_738 : vector<16xf32>
    %add3A_740 = arith.addf %add3A_728, %mul3A_739 : vector<16xf32>
    %add3A_741 = arith.addf %add3A_729, %convert_element_type3A_732 : vector<16xf32>
    %get3A_742 = arith.constant 976 : index
    %get3A_743 = tpu.vector_load %arg7[%get3A_742] {strides = array<i32>} : memref<1024xi32, #tpu.memory_space<vmem>>, vector<16xi32>,
    %convert_element_type3A_744 = arith.sitofp %get3A_743 : vector<16xi32> to vector<16xf32>
    %get3A_745 = arith.constant 976 : index
    %get3A_746 = tpu.vector_load %arg6[%get3A_745] {strides = array<i32>} : memref<1024xf32, #tpu.memory_space<vmem>>, vector<16xf32>,
    %get3A_747 = arith.constant 976 : index
    %get3A_748 = tpu.vector_load %arg8[%get3A_747] {strides = array<i32>} : memref<1024xf32, #tpu.memory_space<vmem>>, vector<16xf32>,
    %sub3A_749 = arith.subf %get3A_746, %get3A_748 : vector<16xf32>
    %mul3A_750 = arith.mulf %sub3A_749, %convert_element_type3A_744 : vector<16xf32>
    %mul3A_751 = arith.mulf %mul3A_750, %mul3A_750 : vector<16xf32>
    %add3A_752 = arith.addf %add3A_740, %mul3A_751 : vector<16xf32>
    %add3A_753 = arith.addf %add3A_741, %convert_element_type3A_744 : vector<16xf32>
    %get3A_754 = arith.constant 992 : index
    %get3A_755 = tpu.vector_load %arg7[%get3A_754] {strides = array<i32>} : memref<1024xi32, #tpu.memory_space<vmem>>, vector<16xi32>,
    %convert_element_type3A_756 = arith.sitofp %get3A_755 : vector<16xi32> to vector<16xf32>
    %get3A_757 = arith.constant 992 : index
    %get3A_758 = tpu.vector_load %arg6[%get3A_757] {strides = array<i32>} : memref<1024xf32, #tpu.memory_space<vmem>>, vector<16xf32>,
    %get3A_759 = arith.constant 992 : index
    %get3A_760 = tpu.vector_load %arg8[%get3A_759] {strides = array<i32>} : memref<1024xf32, #tpu.memory_space<vmem>>, vector<16xf32>,
    %sub3A_761 = arith.subf %get3A_758, %get3A_760 : vector<16xf32>
    %mul3A_762 = arith.mulf %sub3A_761, %convert_element_type3A_756 : vector<16xf32>
    %mul3A_763 = arith.mulf %mul3A_762, %mul3A_762 : vector<16xf32>
    %add3A_764 = arith.addf %add3A_752, %mul3A_763 : vector<16xf32>
    %add3A_765 = arith.addf %add3A_753, %convert_element_type3A_756 : vector<16xf32>
    %get3A_766 = arith.constant 1008 : index
    %get3A_767 = tpu.vector_load %arg7[%get3A_766] {strides = array<i32>} : memref<1024xi32, #tpu.memory_space<vmem>>, vector<16xi32>,
    %convert_element_type3A_768 = arith.sitofp %get3A_767 : vector<16xi32> to vector<16xf32>
    %get3A_769 = arith.constant 1008 : index
    %get3A_770 = tpu.vector_load %arg6[%get3A_769] {strides = array<i32>} : memref<1024xf32, #tpu.memory_space<vmem>>, vector<16xf32>,
    %get3A_771 = arith.constant 1008 : index
    %get3A_772 = tpu.vector_load %arg8[%get3A_771] {strides = array<i32>} : memref<1024xf32, #tpu.memory_space<vmem>>, vector<16xf32>,
    %sub3A_773 = arith.subf %get3A_770, %get3A_772 : vector<16xf32>
    %mul3A_774 = arith.mulf %sub3A_773, %convert_element_type3A_768 : vector<16xf32>
    %mul3A_775 = arith.mulf %mul3A_774, %mul3A_774 : vector<16xf32>
    %add3A_776 = arith.addf %add3A_764, %mul3A_775 : vector<16xf32>
    %add3A_777 = arith.addf %add3A_765, %convert_element_type3A_768 : vector<16xf32>
    %ne3A = arith.constant 0 : i32
    %ne3A_778 = arith.cmpi ne, %arg1, %ne3A : i32
    %convert_element_type3A_779 = arith.extui %ne3A_778 : i1 to i32
    %cond3A = arith.constant 0 : i32
    %cond3A_780 = arith.cmpi ne, %convert_element_type3A_779, %cond3A : i32
    scf.if %cond3A_780 {
      %swap3A = arith.constant 0 : i32
      %swap3A_785 = arith.index_cast %swap3A : i32 to index
      %swap3A_786 = arith.constant 0 : index
      %swap3A_787 = tpu.vector_load %arg9[%swap3A_785, %swap3A_786] {strides = array<i32>} : memref<2x16xf32, #tpu.memory_space<vmem>>, vector<16xf32>,
      tpu.vector_store %arg9[%swap3A_785, %swap3A_786], %add3A_776 {strides = array<i32>} : memref<2x16xf32, #tpu.memory_space<vmem>>, vector<16xf32>,
      %swap3A_788 = arith.constant 1 : i32
      %swap3A_789 = arith.index_cast %swap3A_788 : i32 to index
      %swap3A_790 = arith.constant 0 : index
      %swap3A_791 = tpu.vector_load %arg9[%swap3A_789, %swap3A_790] {strides = array<i32>} : memref<2x16xf32, #tpu.memory_space<vmem>>, vector<16xf32>,
      tpu.vector_store %arg9[%swap3A_789, %swap3A_790], %add3A_777 {strides = array<i32>} : memref<2x16xf32, #tpu.memory_space<vmem>>, vector<16xf32>,
      "tpu.region"() ({
        %run_scoped3A = tpu.sem_alloc : memref<!tpu.dma_semaphore, #tpu.memory_space<semaphore_mem>>
        %dma_start3A_792 = arith.constant 0 : i32
        %dma_start3A_793 = arith.constant 0 : i32
        %dma_start3A_794 = tpu.memref_slice %arg12[%arg1, %dma_start3A_792, %dma_start3A_793] : memref<16x2x16xf32, #tpu.memory_space<vmem_shared>> -> memref<1x2x16xf32, #tpu.memory_space<vmem_shared>>
        %dma_start3A_795 = tpu.memref_squeeze %dma_start3A_794 : memref<1x2x16xf32, #tpu.memory_space<vmem_shared>> -> memref<2x16xf32, #tpu.memory_space<vmem_shared>>
        %dma_start3A_796 = arith.constant 0 : i32
        %dma_start3A_797 = arith.constant 0 : i32
        %dma_start3A_798 = tpu.memref_slice %arg12[%arg1, %dma_start3A_796, %dma_start3A_797] : memref<16x2x16xf32, #tpu.memory_space<vmem_shared>> -> memref<1x2x16xf32, #tpu.memory_space<vmem_shared>>
        %dma_start3A_799 = tpu.memref_squeeze %dma_start3A_798 : memref<1x2x16xf32, #tpu.memory_space<vmem_shared>> -> memref<2x16xf32, #tpu.memory_space<vmem_shared>>
        tpu.enqueue_dma source(%arg9 : memref<2x16xf32, #tpu.memory_space<vmem>>) target(%dma_start3A_799 : memref<2x16xf32, #tpu.memory_space<vmem_shared>>) target_semaphore(%run_scoped3A : memref<!tpu.dma_semaphore, #tpu.memory_space<semaphore_mem>>)
        %dma_wait3A_800 = arith.constant 0 : i32
        %dma_wait3A_801 = arith.constant 0 : i32
        %dma_wait3A_802 = tpu.memref_slice %arg12[%arg1, %dma_wait3A_800, %dma_wait3A_801] : memref<16x2x16xf32, #tpu.memory_space<vmem_shared>> -> memref<1x2x16xf32, #tpu.memory_space<vmem_shared>>
        %dma_wait3A_803 = tpu.memref_squeeze %dma_wait3A_802 : memref<1x2x16xf32, #tpu.memory_space<vmem_shared>> -> memref<2x16xf32, #tpu.memory_space<vmem_shared>>
        %dma_wait3A_804 = arith.constant 0 : i32
        %dma_wait3A_805 = arith.constant 0 : i32
        %dma_wait3A_806 = tpu.memref_slice %arg12[%arg1, %dma_wait3A_804, %dma_wait3A_805] : memref<16x2x16xf32, #tpu.memory_space<vmem_shared>> -> memref<1x2x16xf32, #tpu.memory_space<vmem_shared>>
        %dma_wait3A_807 = tpu.memref_squeeze %dma_wait3A_806 : memref<1x2x16xf32, #tpu.memory_space<vmem_shared>> -> memref<2x16xf32, #tpu.memory_space<vmem_shared>>
        tpu.wait_dma2 semaphore(%run_scoped3A : memref<!tpu.dma_semaphore, #tpu.memory_space<semaphore_mem>>) src(%arg9 : memref<2x16xf32, #tpu.memory_space<vmem>>) dst(%dma_wait3A_807 : memref<2x16xf32, #tpu.memory_space<vmem_shared>>)
        tpu.yield
      }) : () -> ()
    } else {
    }
    %barrier3A = arith.constant 0 : index
    tpu.barrier barrier_id(%barrier3A)
    %eq3A = arith.constant 0 : i32
    %eq3A_781 = arith.cmpi eq, %arg1, %eq3A : i32
    %convert_element_type3A_782 = arith.extui %eq3A_781 : i1 to i32
    %cond3A_783 = arith.constant 0 : i32
    %cond3A_784 = arith.cmpi ne, %convert_element_type3A_782, %cond3A_783 : i32
    scf.if %cond3A_784 {
      "tpu.region"() ({
        %run_scoped3A = tpu.sem_alloc : memref<!tpu.dma_semaphore, #tpu.memory_space<semaphore_mem>>
        %dma_start3A_1054 = arith.constant 1 : i32
        %dma_start3A_1055 = arith.constant 0 : i32
        %dma_start3A_1056 = arith.constant 0 : i32
        %dma_start3A_1057 = tpu.memref_slice %arg12[%dma_start3A_1054, %dma_start3A_1055, %dma_start3A_1056] : memref<16x2x16xf32, #tpu.memory_space<vmem_shared>> -> memref<15x2x16xf32, #tpu.memory_space<vmem_shared>>
        %dma_start3A_1058 = arith.constant 1 : i32
        %dma_start3A_1059 = arith.constant 0 : i32
        %dma_start3A_1060 = arith.constant 0 : i32
        %dma_start3A_1061 = tpu.memref_slice %arg12[%dma_start3A_1058, %dma_start3A_1059, %dma_start3A_1060] : memref<16x2x16xf32, #tpu.memory_space<vmem_shared>> -> memref<15x2x16xf32, #tpu.memory_space<vmem_shared>>
        tpu.enqueue_dma source(%dma_start3A_1061 : memref<15x2x16xf32, #tpu.memory_space<vmem_shared>>) target(%arg10 : memref<15x2x16xf32, #tpu.memory_space<vmem>>) target_semaphore(%run_scoped3A : memref<!tpu.dma_semaphore, #tpu.memory_space<semaphore_mem>>)
        %dma_wait3A_1062 = arith.constant 1 : i32
        %dma_wait3A_1063 = arith.constant 0 : i32
        %dma_wait3A_1064 = arith.constant 0 : i32
        %dma_wait3A_1065 = tpu.memref_slice %arg12[%dma_wait3A_1062, %dma_wait3A_1063, %dma_wait3A_1064] : memref<16x2x16xf32, #tpu.memory_space<vmem_shared>> -> memref<15x2x16xf32, #tpu.memory_space<vmem_shared>>
        %dma_wait3A_1066 = arith.constant 1 : i32
        %dma_wait3A_1067 = arith.constant 0 : i32
        %dma_wait3A_1068 = arith.constant 0 : i32
        %dma_wait3A_1069 = tpu.memref_slice %arg12[%dma_wait3A_1066, %dma_wait3A_1067, %dma_wait3A_1068] : memref<16x2x16xf32, #tpu.memory_space<vmem_shared>> -> memref<15x2x16xf32, #tpu.memory_space<vmem_shared>>
        tpu.wait_dma2 semaphore(%run_scoped3A : memref<!tpu.dma_semaphore, #tpu.memory_space<semaphore_mem>>) src(%dma_wait3A_1069 : memref<15x2x16xf32, #tpu.memory_space<vmem_shared>>) dst(%arg10 : memref<15x2x16xf32, #tpu.memory_space<vmem>>)
        tpu.yield
      }) : () -> ()
      %get3A_785 = arith.constant 0 : i32
      %get3A_786 = arith.constant 0 : i32
      %get3A_787 = arith.index_cast %get3A_785 : i32 to index
      %get3A_788 = arith.index_cast %get3A_786 : i32 to index
      %get3A_789 = arith.constant 0 : index
      %get3A_790 = tpu.vector_load %arg10[%get3A_787, %get3A_788, %get3A_789] {strides = array<i32>} : memref<15x2x16xf32, #tpu.memory_space<vmem>>, vector<16xf32>,
      %add3A_791 = arith.addf %add3A_776, %get3A_790 : vector<16xf32>
      %get3A_792 = arith.constant 0 : i32
      %get3A_793 = arith.constant 1 : i32
      %get3A_794 = arith.index_cast %get3A_792 : i32 to index
      %get3A_795 = arith.index_cast %get3A_793 : i32 to index
      %get3A_796 = arith.constant 0 : index
      %get3A_797 = tpu.vector_load %arg10[%get3A_794, %get3A_795, %get3A_796] {strides = array<i32>} : memref<15x2x16xf32, #tpu.memory_space<vmem>>, vector<16xf32>,
      %add3A_798 = arith.addf %add3A_777, %get3A_797 : vector<16xf32>
      %get3A_799 = arith.constant 1 : i32
      %get3A_800 = arith.constant 0 : i32
      %get3A_801 = arith.index_cast %get3A_799 : i32 to index
      %get3A_802 = arith.index_cast %get3A_800 : i32 to index
      %get3A_803 = arith.constant 0 : index
      %get3A_804 = tpu.vector_load %arg10[%get3A_801, %get3A_802, %get3A_803] {strides = array<i32>} : memref<15x2x16xf32, #tpu.memory_space<vmem>>, vector<16xf32>,
      %add3A_805 = arith.addf %add3A_791, %get3A_804 : vector<16xf32>
      %get3A_806 = arith.constant 1 : i32
      %get3A_807 = arith.constant 1 : i32
      %get3A_808 = arith.index_cast %get3A_806 : i32 to index
      %get3A_809 = arith.index_cast %get3A_807 : i32 to index
      %get3A_810 = arith.constant 0 : index
      %get3A_811 = tpu.vector_load %arg10[%get3A_808, %get3A_809, %get3A_810] {strides = array<i32>} : memref<15x2x16xf32, #tpu.memory_space<vmem>>, vector<16xf32>,
      %add3A_812 = arith.addf %add3A_798, %get3A_811 : vector<16xf32>
      %get3A_813 = arith.constant 2 : i32
      %get3A_814 = arith.constant 0 : i32
      %get3A_815 = arith.index_cast %get3A_813 : i32 to index
      %get3A_816 = arith.index_cast %get3A_814 : i32 to index
      %get3A_817 = arith.constant 0 : index
      %get3A_818 = tpu.vector_load %arg10[%get3A_815, %get3A_816, %get3A_817] {strides = array<i32>} : memref<15x2x16xf32, #tpu.memory_space<vmem>>, vector<16xf32>,
      %add3A_819 = arith.addf %add3A_805, %get3A_818 : vector<16xf32>
      %get3A_820 = arith.constant 2 : i32
      %get3A_821 = arith.constant 1 : i32
      %get3A_822 = arith.index_cast %get3A_820 : i32 to index
      %get3A_823 = arith.index_cast %get3A_821 : i32 to index
      %get3A_824 = arith.constant 0 : index
      %get3A_825 = tpu.vector_load %arg10[%get3A_822, %get3A_823, %get3A_824] {strides = array<i32>} : memref<15x2x16xf32, #tpu.memory_space<vmem>>, vector<16xf32>,
      %add3A_826 = arith.addf %add3A_812, %get3A_825 : vector<16xf32>
      %get3A_827 = arith.constant 3 : i32
      %get3A_828 = arith.constant 0 : i32
      %get3A_829 = arith.index_cast %get3A_827 : i32 to index
      %get3A_830 = arith.index_cast %get3A_828 : i32 to index
      %get3A_831 = arith.constant 0 : index
      %get3A_832 = tpu.vector_load %arg10[%get3A_829, %get3A_830, %get3A_831] {strides = array<i32>} : memref<15x2x16xf32, #tpu.memory_space<vmem>>, vector<16xf32>,
      %add3A_833 = arith.addf %add3A_819, %get3A_832 : vector<16xf32>
      %get3A_834 = arith.constant 3 : i32
      %get3A_835 = arith.constant 1 : i32
      %get3A_836 = arith.index_cast %get3A_834 : i32 to index
      %get3A_837 = arith.index_cast %get3A_835 : i32 to index
      %get3A_838 = arith.constant 0 : index
      %get3A_839 = tpu.vector_load %arg10[%get3A_836, %get3A_837, %get3A_838] {strides = array<i32>} : memref<15x2x16xf32, #tpu.memory_space<vmem>>, vector<16xf32>,
      %add3A_840 = arith.addf %add3A_826, %get3A_839 : vector<16xf32>
      %get3A_841 = arith.constant 4 : i32
      %get3A_842 = arith.constant 0 : i32
      %get3A_843 = arith.index_cast %get3A_841 : i32 to index
      %get3A_844 = arith.index_cast %get3A_842 : i32 to index
      %get3A_845 = arith.constant 0 : index
      %get3A_846 = tpu.vector_load %arg10[%get3A_843, %get3A_844, %get3A_845] {strides = array<i32>} : memref<15x2x16xf32, #tpu.memory_space<vmem>>, vector<16xf32>,
      %add3A_847 = arith.addf %add3A_833, %get3A_846 : vector<16xf32>
      %get3A_848 = arith.constant 4 : i32
      %get3A_849 = arith.constant 1 : i32
      %get3A_850 = arith.index_cast %get3A_848 : i32 to index
      %get3A_851 = arith.index_cast %get3A_849 : i32 to index
      %get3A_852 = arith.constant 0 : index
      %get3A_853 = tpu.vector_load %arg10[%get3A_850, %get3A_851, %get3A_852] {strides = array<i32>} : memref<15x2x16xf32, #tpu.memory_space<vmem>>, vector<16xf32>,
      %add3A_854 = arith.addf %add3A_840, %get3A_853 : vector<16xf32>
      %get3A_855 = arith.constant 5 : i32
      %get3A_856 = arith.constant 0 : i32
      %get3A_857 = arith.index_cast %get3A_855 : i32 to index
      %get3A_858 = arith.index_cast %get3A_856 : i32 to index
      %get3A_859 = arith.constant 0 : index
      %get3A_860 = tpu.vector_load %arg10[%get3A_857, %get3A_858, %get3A_859] {strides = array<i32>} : memref<15x2x16xf32, #tpu.memory_space<vmem>>, vector<16xf32>,
      %add3A_861 = arith.addf %add3A_847, %get3A_860 : vector<16xf32>
      %get3A_862 = arith.constant 5 : i32
      %get3A_863 = arith.constant 1 : i32
      %get3A_864 = arith.index_cast %get3A_862 : i32 to index
      %get3A_865 = arith.index_cast %get3A_863 : i32 to index
      %get3A_866 = arith.constant 0 : index
      %get3A_867 = tpu.vector_load %arg10[%get3A_864, %get3A_865, %get3A_866] {strides = array<i32>} : memref<15x2x16xf32, #tpu.memory_space<vmem>>, vector<16xf32>,
      %add3A_868 = arith.addf %add3A_854, %get3A_867 : vector<16xf32>
      %get3A_869 = arith.constant 6 : i32
      %get3A_870 = arith.constant 0 : i32
      %get3A_871 = arith.index_cast %get3A_869 : i32 to index
      %get3A_872 = arith.index_cast %get3A_870 : i32 to index
      %get3A_873 = arith.constant 0 : index
      %get3A_874 = tpu.vector_load %arg10[%get3A_871, %get3A_872, %get3A_873] {strides = array<i32>} : memref<15x2x16xf32, #tpu.memory_space<vmem>>, vector<16xf32>,
      %add3A_875 = arith.addf %add3A_861, %get3A_874 : vector<16xf32>
      %get3A_876 = arith.constant 6 : i32
      %get3A_877 = arith.constant 1 : i32
      %get3A_878 = arith.index_cast %get3A_876 : i32 to index
      %get3A_879 = arith.index_cast %get3A_877 : i32 to index
      %get3A_880 = arith.constant 0 : index
      %get3A_881 = tpu.vector_load %arg10[%get3A_878, %get3A_879, %get3A_880] {strides = array<i32>} : memref<15x2x16xf32, #tpu.memory_space<vmem>>, vector<16xf32>,
      %add3A_882 = arith.addf %add3A_868, %get3A_881 : vector<16xf32>
      %get3A_883 = arith.constant 7 : i32
      %get3A_884 = arith.constant 0 : i32
      %get3A_885 = arith.index_cast %get3A_883 : i32 to index
      %get3A_886 = arith.index_cast %get3A_884 : i32 to index
      %get3A_887 = arith.constant 0 : index
      %get3A_888 = tpu.vector_load %arg10[%get3A_885, %get3A_886, %get3A_887] {strides = array<i32>} : memref<15x2x16xf32, #tpu.memory_space<vmem>>, vector<16xf32>,
      %add3A_889 = arith.addf %add3A_875, %get3A_888 : vector<16xf32>
      %get3A_890 = arith.constant 7 : i32
      %get3A_891 = arith.constant 1 : i32
      %get3A_892 = arith.index_cast %get3A_890 : i32 to index
      %get3A_893 = arith.index_cast %get3A_891 : i32 to index
      %get3A_894 = arith.constant 0 : index
      %get3A_895 = tpu.vector_load %arg10[%get3A_892, %get3A_893, %get3A_894] {strides = array<i32>} : memref<15x2x16xf32, #tpu.memory_space<vmem>>, vector<16xf32>,
      %add3A_896 = arith.addf %add3A_882, %get3A_895 : vector<16xf32>
      %get3A_897 = arith.constant 8 : i32
      %get3A_898 = arith.constant 0 : i32
      %get3A_899 = arith.index_cast %get3A_897 : i32 to index
      %get3A_900 = arith.index_cast %get3A_898 : i32 to index
      %get3A_901 = arith.constant 0 : index
      %get3A_902 = tpu.vector_load %arg10[%get3A_899, %get3A_900, %get3A_901] {strides = array<i32>} : memref<15x2x16xf32, #tpu.memory_space<vmem>>, vector<16xf32>,
      %add3A_903 = arith.addf %add3A_889, %get3A_902 : vector<16xf32>
      %get3A_904 = arith.constant 8 : i32
      %get3A_905 = arith.constant 1 : i32
      %get3A_906 = arith.index_cast %get3A_904 : i32 to index
      %get3A_907 = arith.index_cast %get3A_905 : i32 to index
      %get3A_908 = arith.constant 0 : index
      %get3A_909 = tpu.vector_load %arg10[%get3A_906, %get3A_907, %get3A_908] {strides = array<i32>} : memref<15x2x16xf32, #tpu.memory_space<vmem>>, vector<16xf32>,
      %add3A_910 = arith.addf %add3A_896, %get3A_909 : vector<16xf32>
      %get3A_911 = arith.constant 9 : i32
      %get3A_912 = arith.constant 0 : i32
      %get3A_913 = arith.index_cast %get3A_911 : i32 to index
      %get3A_914 = arith.index_cast %get3A_912 : i32 to index
      %get3A_915 = arith.constant 0 : index
      %get3A_916 = tpu.vector_load %arg10[%get3A_913, %get3A_914, %get3A_915] {strides = array<i32>} : memref<15x2x16xf32, #tpu.memory_space<vmem>>, vector<16xf32>,
      %add3A_917 = arith.addf %add3A_903, %get3A_916 : vector<16xf32>
      %get3A_918 = arith.constant 9 : i32
      %get3A_919 = arith.constant 1 : i32
      %get3A_920 = arith.index_cast %get3A_918 : i32 to index
      %get3A_921 = arith.index_cast %get3A_919 : i32 to index
      %get3A_922 = arith.constant 0 : index
      %get3A_923 = tpu.vector_load %arg10[%get3A_920, %get3A_921, %get3A_922] {strides = array<i32>} : memref<15x2x16xf32, #tpu.memory_space<vmem>>, vector<16xf32>,
      %add3A_924 = arith.addf %add3A_910, %get3A_923 : vector<16xf32>
      %get3A_925 = arith.constant 10 : i32
      %get3A_926 = arith.constant 0 : i32
      %get3A_927 = arith.index_cast %get3A_925 : i32 to index
      %get3A_928 = arith.index_cast %get3A_926 : i32 to index
      %get3A_929 = arith.constant 0 : index
      %get3A_930 = tpu.vector_load %arg10[%get3A_927, %get3A_928, %get3A_929] {strides = array<i32>} : memref<15x2x16xf32, #tpu.memory_space<vmem>>, vector<16xf32>,
      %add3A_931 = arith.addf %add3A_917, %get3A_930 : vector<16xf32>
      %get3A_932 = arith.constant 10 : i32
      %get3A_933 = arith.constant 1 : i32
      %get3A_934 = arith.index_cast %get3A_932 : i32 to index
      %get3A_935 = arith.index_cast %get3A_933 : i32 to index
      %get3A_936 = arith.constant 0 : index
      %get3A_937 = tpu.vector_load %arg10[%get3A_934, %get3A_935, %get3A_936] {strides = array<i32>} : memref<15x2x16xf32, #tpu.memory_space<vmem>>, vector<16xf32>,
      %add3A_938 = arith.addf %add3A_924, %get3A_937 : vector<16xf32>
      %get3A_939 = arith.constant 11 : i32
      %get3A_940 = arith.constant 0 : i32
      %get3A_941 = arith.index_cast %get3A_939 : i32 to index
      %get3A_942 = arith.index_cast %get3A_940 : i32 to index
      %get3A_943 = arith.constant 0 : index
      %get3A_944 = tpu.vector_load %arg10[%get3A_941, %get3A_942, %get3A_943] {strides = array<i32>} : memref<15x2x16xf32, #tpu.memory_space<vmem>>, vector<16xf32>,
      %add3A_945 = arith.addf %add3A_931, %get3A_944 : vector<16xf32>
      %get3A_946 = arith.constant 11 : i32
      %get3A_947 = arith.constant 1 : i32
      %get3A_948 = arith.index_cast %get3A_946 : i32 to index
      %get3A_949 = arith.index_cast %get3A_947 : i32 to index
      %get3A_950 = arith.constant 0 : index
      %get3A_951 = tpu.vector_load %arg10[%get3A_948, %get3A_949, %get3A_950] {strides = array<i32>} : memref<15x2x16xf32, #tpu.memory_space<vmem>>, vector<16xf32>,
      %add3A_952 = arith.addf %add3A_938, %get3A_951 : vector<16xf32>
      %get3A_953 = arith.constant 12 : i32
      %get3A_954 = arith.constant 0 : i32
      %get3A_955 = arith.index_cast %get3A_953 : i32 to index
      %get3A_956 = arith.index_cast %get3A_954 : i32 to index
      %get3A_957 = arith.constant 0 : index
      %get3A_958 = tpu.vector_load %arg10[%get3A_955, %get3A_956, %get3A_957] {strides = array<i32>} : memref<15x2x16xf32, #tpu.memory_space<vmem>>, vector<16xf32>,
      %add3A_959 = arith.addf %add3A_945, %get3A_958 : vector<16xf32>
      %get3A_960 = arith.constant 12 : i32
      %get3A_961 = arith.constant 1 : i32
      %get3A_962 = arith.index_cast %get3A_960 : i32 to index
      %get3A_963 = arith.index_cast %get3A_961 : i32 to index
      %get3A_964 = arith.constant 0 : index
      %get3A_965 = tpu.vector_load %arg10[%get3A_962, %get3A_963, %get3A_964] {strides = array<i32>} : memref<15x2x16xf32, #tpu.memory_space<vmem>>, vector<16xf32>,
      %add3A_966 = arith.addf %add3A_952, %get3A_965 : vector<16xf32>
      %get3A_967 = arith.constant 13 : i32
      %get3A_968 = arith.constant 0 : i32
      %get3A_969 = arith.index_cast %get3A_967 : i32 to index
      %get3A_970 = arith.index_cast %get3A_968 : i32 to index
      %get3A_971 = arith.constant 0 : index
      %get3A_972 = tpu.vector_load %arg10[%get3A_969, %get3A_970, %get3A_971] {strides = array<i32>} : memref<15x2x16xf32, #tpu.memory_space<vmem>>, vector<16xf32>,
      %add3A_973 = arith.addf %add3A_959, %get3A_972 : vector<16xf32>
      %get3A_974 = arith.constant 13 : i32
      %get3A_975 = arith.constant 1 : i32
      %get3A_976 = arith.index_cast %get3A_974 : i32 to index
      %get3A_977 = arith.index_cast %get3A_975 : i32 to index
      %get3A_978 = arith.constant 0 : index
      %get3A_979 = tpu.vector_load %arg10[%get3A_976, %get3A_977, %get3A_978] {strides = array<i32>} : memref<15x2x16xf32, #tpu.memory_space<vmem>>, vector<16xf32>,
      %add3A_980 = arith.addf %add3A_966, %get3A_979 : vector<16xf32>
      %get3A_981 = arith.constant 14 : i32
      %get3A_982 = arith.constant 0 : i32
      %get3A_983 = arith.index_cast %get3A_981 : i32 to index
      %get3A_984 = arith.index_cast %get3A_982 : i32 to index
      %get3A_985 = arith.constant 0 : index
      %get3A_986 = tpu.vector_load %arg10[%get3A_983, %get3A_984, %get3A_985] {strides = array<i32>} : memref<15x2x16xf32, #tpu.memory_space<vmem>>, vector<16xf32>,
      %add3A_987 = arith.addf %add3A_973, %get3A_986 : vector<16xf32>
      %get3A_988 = arith.constant 14 : i32
      %get3A_989 = arith.constant 1 : i32
      %get3A_990 = arith.index_cast %get3A_988 : i32 to index
      %get3A_991 = arith.index_cast %get3A_989 : i32 to index
      %get3A_992 = arith.constant 0 : index
      %get3A_993 = tpu.vector_load %arg10[%get3A_990, %get3A_991, %get3A_992] {strides = array<i32>} : memref<15x2x16xf32, #tpu.memory_space<vmem>>, vector<16xf32>,
      %add3A_994 = arith.addf %add3A_980, %get3A_993 : vector<16xf32>
      %iota3A = tpu.iota {dimensions = array<i32: 0>} : vector<16xi32>
      %swap3A = arith.constant 0 : index
      %swap3A_995 = tpu.vector_load %arg11[%swap3A] {strides = array<i32>} : memref<16xf32, #tpu.memory_space<vmem>>, vector<16xf32>,
      tpu.vector_store %arg11[%swap3A], %add3A_987 {strides = array<i32>} : memref<16xf32, #tpu.memory_space<vmem>>, vector<16xf32>,
      %swap3A_996 = arith.constant 0 : i32
      %swap3A_997 = arith.index_cast %swap3A_996 : i32 to index
      %swap3A_998 = arith.constant 0 : index
      %swap3A_999 = tpu.vector_load %arg9[%swap3A_997, %swap3A_998] {strides = array<i32>} : memref<2x16xf32, #tpu.memory_space<vmem>>, vector<16xf32>,
      tpu.vector_store %arg9[%swap3A_997, %swap3A_998], %add3A_994 {strides = array<i32>} : memref<2x16xf32, #tpu.memory_space<vmem>>, vector<16xf32>,
      %xor3A = arith.constant 1 : i32
      %xor3A_1000 = vector.broadcast %xor3A : i32 to vector<16xi32>
      %xor3A_1001 = arith.xori %iota3A, %xor3A_1000 : vector<16xi32>
      %gather3A = tpu.vector_load_idx %arg11[%xor3A_1001] : memref<16xf32, #tpu.memory_space<vmem>>[vector<16xi32>], vector<16xf32>,
      %add3A_1002 = arith.addf %add3A_987, %gather3A : vector<16xf32>
      %broadcast_in_dim3A_1003 = arith.constant 0 : i32
      %broadcast_in_dim3A_1004 = vector.broadcast %broadcast_in_dim3A_1003 : i32 to vector<16xi32>
      %gather3A_1005 = tpu.vector_load_idx %arg9[%broadcast_in_dim3A_1004, %xor3A_1001] : memref<2x16xf32, #tpu.memory_space<vmem>>[vector<16xi32>, vector<16xi32>], vector<16xf32>,
      %add3A_1006 = arith.addf %add3A_994, %gather3A_1005 : vector<16xf32>
      %swap3A_1007 = arith.constant 0 : index
      %swap3A_1008 = tpu.vector_load %arg11[%swap3A_1007] {strides = array<i32>} : memref<16xf32, #tpu.memory_space<vmem>>, vector<16xf32>,
      tpu.vector_store %arg11[%swap3A_1007], %add3A_1002 {strides = array<i32>} : memref<16xf32, #tpu.memory_space<vmem>>, vector<16xf32>,
      %swap3A_1009 = arith.constant 0 : i32
      %swap3A_1010 = arith.index_cast %swap3A_1009 : i32 to index
      %swap3A_1011 = arith.constant 0 : index
      %swap3A_1012 = tpu.vector_load %arg9[%swap3A_1010, %swap3A_1011] {strides = array<i32>} : memref<2x16xf32, #tpu.memory_space<vmem>>, vector<16xf32>,
      tpu.vector_store %arg9[%swap3A_1010, %swap3A_1011], %add3A_1006 {strides = array<i32>} : memref<2x16xf32, #tpu.memory_space<vmem>>, vector<16xf32>,
      %xor3A_1013 = arith.constant 2 : i32
      %xor3A_1014 = vector.broadcast %xor3A_1013 : i32 to vector<16xi32>
      %xor3A_1015 = arith.xori %iota3A, %xor3A_1014 : vector<16xi32>
      %gather3A_1016 = tpu.vector_load_idx %arg11[%xor3A_1015] : memref<16xf32, #tpu.memory_space<vmem>>[vector<16xi32>], vector<16xf32>,
      %add3A_1017 = arith.addf %add3A_1002, %gather3A_1016 : vector<16xf32>
      %broadcast_in_dim3A_1018 = arith.constant 0 : i32
      %broadcast_in_dim3A_1019 = vector.broadcast %broadcast_in_dim3A_1018 : i32 to vector<16xi32>
      %gather3A_1020 = tpu.vector_load_idx %arg9[%broadcast_in_dim3A_1019, %xor3A_1015] : memref<2x16xf32, #tpu.memory_space<vmem>>[vector<16xi32>, vector<16xi32>], vector<16xf32>,
      %add3A_1021 = arith.addf %add3A_1006, %gather3A_1020 : vector<16xf32>
      %swap3A_1022 = arith.constant 0 : index
      %swap3A_1023 = tpu.vector_load %arg11[%swap3A_1022] {strides = array<i32>} : memref<16xf32, #tpu.memory_space<vmem>>, vector<16xf32>,
      tpu.vector_store %arg11[%swap3A_1022], %add3A_1017 {strides = array<i32>} : memref<16xf32, #tpu.memory_space<vmem>>, vector<16xf32>,
      %swap3A_1024 = arith.constant 0 : i32
      %swap3A_1025 = arith.index_cast %swap3A_1024 : i32 to index
      %swap3A_1026 = arith.constant 0 : index
      %swap3A_1027 = tpu.vector_load %arg9[%swap3A_1025, %swap3A_1026] {strides = array<i32>} : memref<2x16xf32, #tpu.memory_space<vmem>>, vector<16xf32>,
      tpu.vector_store %arg9[%swap3A_1025, %swap3A_1026], %add3A_1021 {strides = array<i32>} : memref<2x16xf32, #tpu.memory_space<vmem>>, vector<16xf32>,
      %xor3A_1028 = arith.constant 4 : i32
      %xor3A_1029 = vector.broadcast %xor3A_1028 : i32 to vector<16xi32>
      %xor3A_1030 = arith.xori %iota3A, %xor3A_1029 : vector<16xi32>
      %gather3A_1031 = tpu.vector_load_idx %arg11[%xor3A_1030] : memref<16xf32, #tpu.memory_space<vmem>>[vector<16xi32>], vector<16xf32>,
      %add3A_1032 = arith.addf %add3A_1017, %gather3A_1031 : vector<16xf32>
      %broadcast_in_dim3A_1033 = arith.constant 0 : i32
      %broadcast_in_dim3A_1034 = vector.broadcast %broadcast_in_dim3A_1033 : i32 to vector<16xi32>
      %gather3A_1035 = tpu.vector_load_idx %arg9[%broadcast_in_dim3A_1034, %xor3A_1030] : memref<2x16xf32, #tpu.memory_space<vmem>>[vector<16xi32>, vector<16xi32>], vector<16xf32>,
      %add3A_1036 = arith.addf %add3A_1021, %gather3A_1035 : vector<16xf32>
      %swap3A_1037 = arith.constant 0 : index
      %swap3A_1038 = tpu.vector_load %arg11[%swap3A_1037] {strides = array<i32>} : memref<16xf32, #tpu.memory_space<vmem>>, vector<16xf32>,
      tpu.vector_store %arg11[%swap3A_1037], %add3A_1032 {strides = array<i32>} : memref<16xf32, #tpu.memory_space<vmem>>, vector<16xf32>,
      %swap3A_1039 = arith.constant 0 : i32
      %swap3A_1040 = arith.index_cast %swap3A_1039 : i32 to index
      %swap3A_1041 = arith.constant 0 : index
      %swap3A_1042 = tpu.vector_load %arg9[%swap3A_1040, %swap3A_1041] {strides = array<i32>} : memref<2x16xf32, #tpu.memory_space<vmem>>, vector<16xf32>,
      tpu.vector_store %arg9[%swap3A_1040, %swap3A_1041], %add3A_1036 {strides = array<i32>} : memref<2x16xf32, #tpu.memory_space<vmem>>, vector<16xf32>,
      %xor3A_1043 = arith.constant 8 : i32
      %xor3A_1044 = vector.broadcast %xor3A_1043 : i32 to vector<16xi32>
      %xor3A_1045 = arith.xori %iota3A, %xor3A_1044 : vector<16xi32>
      %gather3A_1046 = tpu.vector_load_idx %arg11[%xor3A_1045] : memref<16xf32, #tpu.memory_space<vmem>>[vector<16xi32>], vector<16xf32>,
      %add3A_1047 = arith.addf %add3A_1032, %gather3A_1046 : vector<16xf32>
      %broadcast_in_dim3A_1048 = arith.constant 0 : i32
      %broadcast_in_dim3A_1049 = vector.broadcast %broadcast_in_dim3A_1048 : i32 to vector<16xi32>
      %gather3A_1050 = tpu.vector_load_idx %arg9[%broadcast_in_dim3A_1049, %xor3A_1045] : memref<2x16xf32, #tpu.memory_space<vmem>>[vector<16xi32>, vector<16xi32>], vector<16xf32>,
      %add3A_1051 = arith.addf %add3A_1036, %gather3A_1050 : vector<16xf32>
      %div3A = arith.divf %add3A_1047, %add3A_1051 : vector<16xf32>
      %swap3A_1052 = arith.constant 0 : index
      %swap3A_1053 = tpu.vector_load %arg11[%swap3A_1052] {strides = array<i32>} : memref<16xf32, #tpu.memory_space<vmem>>, vector<16xf32>,
      tpu.vector_store %arg11[%swap3A_1052], %div3A {strides = array<i32>} : memref<16xf32, #tpu.memory_space<vmem>>, vector<16xf32>,
      "tpu.region"() ({
        %run_scoped3A = tpu.sem_alloc : memref<!tpu.dma_semaphore, #tpu.memory_space<semaphore_mem>>
        tpu.enqueue_dma source(%arg11 : memref<16xf32, #tpu.memory_space<vmem>>) target(%arg5 : memref<16xf32, #tpu.memory_space<hbm>>) target_semaphore(%run_scoped3A : memref<!tpu.dma_semaphore, #tpu.memory_space<semaphore_mem>>)
        tpu.wait_dma2 semaphore(%run_scoped3A : memref<!tpu.dma_semaphore, #tpu.memory_space<semaphore_mem>>) src(%arg11 : memref<16xf32, #tpu.memory_space<vmem>>) dst(%arg5 : memref<16xf32, #tpu.memory_space<hbm>>)
        tpu.yield
      }) : () -> ()
    } else {
    }
    return
  }
}

</mosaic_0001>

<sc_bundles>
// kernel: kernel.3.cloned.1.call-start
scs
__scs_entry_jumppad:
0x0: {  	(pc) =	sbr.rel $0x88, $3  }
0x1: {  	(tag) =	ssettag $0x0;
	lr =	simm.s32 $0x1  }
0x2: {  	[smem:$0x3F9E] =	sst lr;
	_ =	strace $0xD0000000  }
0x3: {  	_ = 	snop  }
0x4: {  	_ = 	snop  }
0x5: {  	_ = 	snop  }
0x6: {  	_ = 	snop  }
0x7: {  	_ = 	snop  }
__scs_overlays_trampoline_lowered:
0x8: {  	[smem:$0x3FAD] =	sst s0  }
0x9: {  	[smem:$0x3FAE] =	sst s1  }
0xa: {  	[smem:$0x3FAF] =	sst s2  }
0xb: {  	[smem:$0x3FB0] =	sst s3  }
0xc: {  	[smem:$0x3FB1] =	sst s4  }
0xd: {  	[smem:$0x3FB2] =	sst s5  }
0xe: {  	[smem:$0x3FB3] =	sst s6  }
0xf: {  	[smem:$0x3FB4] =	sst s7  }
0x10: {  	[smem:$0x3FB5] =	sst s8  }
0x11: {  	[smem:$0x3FB6] =	sst s9;
	s0 =	simm.s32 @!p0 $0x0  }
0x12: {  	s1 =	sld [smem:$0x3F9C];
	s0 =	simm.s32 @p0 $0x1  }
0x13: {  	[smem:$0x3FB7] =	sst s0;
	s0 =	simm.s32 @!p1 $0x0  }
0x14: {  	s2 =	sld [smem:$0x3F9B];
	s0 =	simm.s32 @p1 $0x1  }
0x15: {  	[smem:$0x3FB8] =	sst s0;
	s0 =	simm.s32 @!p2 $0x0  }
0x16: {  	s3 =	sld [smem:$0x3FDB];
	s0 =	simm.s32 @p2 $0x1  }
0x17: {  	s4 =	simm.s32 $0x1BF5;
	[smem:$0x3FBA] =	sst s0  }
0x18: {  	s0 =	sld [smem:$0x3F9D];
	_ =	swait.ge [sflag:s4], $0x0  }
0x19: {  	s7 =	sld [smem:$0x3F9E]  }
0x1a: {  	s8 =	sadd.s32 $0xFFFFE003, lr  }
0x1b: {  	s9 =	sadd.s32 $0xFFFFFEF7, lr;
	s5 =	simm.s32 $0xFFFFFFFF;
	p2 =	slt.u32 s8, $0xFFFFF086  }
0x1c: {  	p1 =	slt.u32 s9, $0xF7A;
	s5 =	simm.s32 @!p2 $0x0  }
0x1d: {  	s5 =	simm.s32 @p1 $0x1;
	p0 =	seq.s32 s7, s2  }
0x1e: {  	s7 =	smul.u32 @!p0 $0xF7A, s2;
	p2 =	seq.s32 @!p0 s5, $0x0  }
0x1f: {  	s9 =	smul.u32 $0xF7A, s1;
	s8 =	simm.s32 @!p0 $0x1BF5;
	p2 =	por !p2, p0  }
0x20: {  	[sflag:s8] =	ssyncset.s32 @!p0 $0xFFFFF086;
	s6 =	sadd.s32 @!p0 s3, s7;
	s7 =	simm.s32 @!p0 $0x108  }
0x21: {  	s3 =	sadd.s32 s3, s9;
	s6 =	sadd.s32 @!p0 $0x88, s6;
	s7 =	simm.s32 @p2 $0x1082  }
0x22: {  	[simem:s7], [sflag:s8] =	dma.local @!p0 [hbm:s6], $0xF7A  }
0x23: {  	s9 =	sor.u32 $0xD0000000, s2;
	s6 =	simm.s32 $0x108;
	_ =	swait.ge @!p0 [sflag:s8], $0x0  }
0x24: {  	s3 =	sadd.s32 $0x88, s3;
	s6 =	simm.s32 @!p1 $0x1082;
	[sflag:s4] =	ssyncset.s32 $0xFFFFF086  }
0x25: {  	[simem:s6], [sflag:s4] =	dma.local [hbm:s3], $0xF7A  }
0x26: {  	[smem:$0x3F9E] =	sst s1;
	(tag) =	ssettag s2;
	_ =	strace s9  }
0x27: {  	s1 =	sld [smem:$0x3FAE]  }
0x28: {  	s2 =	sld [smem:$0x3FAF]  }
0x29: {  	s4 =	sld [smem:$0x3FB1]  }
0x2a: {  	p0 =	seq.s32 s5, $0x0;
	s5 =	sld [smem:$0x3FB2]  }
0x2b: {  	s6 =	sld [smem:$0x3FB3]  }
0x2c: {  	s7 =	sld [smem:$0x3FB4]  }
0x2d: {  	s3 =	simm.s32 $0x108;
	s8 =	sld [smem:$0x3FB5]  }
0x2e: {  	s3 =	simm.s32 @!p0 $0x1082;
	s9 =	sld [smem:$0x3FB6]  }
0x2f: {  	lr =	sadd.s32 s0, s3;
	s0 =	sld [smem:$0x3FAD]  }
0x30: {  	s3 =	sld [smem:$0x3FB0]  }
0x31: {  	[smem:$0x3FB9] =	sst s10  }
0x32: {  	s10 =	sld [smem:$0x3FB7];
	_ =	sdelay $0x3  }
0x33: {  	p0 =	seq.s32 s10, $0x1;
	s10 =	sld [smem:$0x3FB9];
	_ =	sdelay $0x3  }
0x34: {  	[smem:$0x3FB9] =	sst s10  }
0x35: {  	s10 =	sld [smem:$0x3FB8];
	_ =	sdelay $0x3  }
0x36: {  	p1 =	seq.s32 s10, $0x1;
	s10 =	sld [smem:$0x3FB9];
	_ =	sdelay $0x3  }
0x37: {  	[smem:$0x3FB9] =	sst s10  }
0x38: {  	s10 =	sld [smem:$0x3FBA]  }
0x39: {  	_ = 	snop;
	(pc) =	sbr.ind lr, $3  }
0x3a: {  	_ = 	snop  }
0x3b: {  	_ = 	snop  }
0x3c: {  	p2 =	seq.s32 s10, $0x1;
	s10 =	sld [smem:$0x3FB9]  }
0x3d: {  	_ =	shalt  }
0x3e: {  	_ =	shalt  }
0x3f: {  	_ =	shalt  }
0x40: {  	_ =	shalt  }
0x41: {  	_ =	shalt  }
0x42: {  	_ =	shalt  }
0x43: {  	_ =	shalt  }
0x44: {  	_ =	shalt  }
0x45: {  	_ =	shalt  }
0x46: {  	_ =	shalt  }
0x47: {  	_ =	shalt  }
0x48: {  	_ =	shalt  }
0x49: {  	_ =	shalt  }
0x4a: {  	_ =	shalt  }
0x4b: {  	_ =	shalt  }
0x4c: {  	_ =	shalt  }
0x4d: {  	_ =	shalt  }
0x4e: {  	_ =	shalt  }
0x4f: {  	_ =	shalt  }
0x50: {  	_ =	shalt  }
0x51: {  	_ =	shalt  }
0x52: {  	_ =	shalt  }
0x53: {  	_ =	shalt  }
0x54: {  	_ =	shalt  }
0x55: {  	_ =	shalt  }
0x56: {  	_ =	shalt  }
0x57: {  	_ =	shalt  }
0x58: {  	_ =	shalt  }
0x59: {  	_ =	shalt  }
0x5a: {  	_ =	shalt  }
0x5b: {  	_ =	shalt  }
0x5c: {  	_ =	shalt  }
0x5d: {  	_ =	shalt  }
0x5e: {  	_ =	shalt  }
0x5f: {  	_ =	shalt  }
0x60: {  	_ =	shalt  }
0x61: {  	_ =	shalt  }
0x62: {  	_ =	shalt  }
0x63: {  	_ =	shalt  }
0x64: {  	_ =	shalt  }
0x65: {  	_ =	shalt  }
0x66: {  	_ =	shalt  }
0x67: {  	_ =	shalt  }
0x68: {  	_ =	shalt  }
0x69: {  	_ =	shalt  }
0x6a: {  	_ =	shalt  }
0x6b: {  	_ =	shalt  }
0x6c: {  	_ =	shalt  }
0x6d: {  	_ =	shalt  }
0x6e: {  	_ =	shalt  }
0x6f: {  	_ =	shalt  }
0x70: {  	_ =	shalt  }
0x71: {  	_ =	shalt  }
0x72: {  	_ =	shalt  }
0x73: {  	_ =	shalt  }
0x74: {  	_ =	shalt  }
0x75: {  	_ =	shalt  }
0x76: {  	_ =	shalt  }
0x77: {  	_ =	shalt  }
0x78: {  	_ =	shalt  }
0x79: {  	_ =	shalt  }
0x7a: {  	_ =	shalt  }
0x7b: {  	_ =	shalt  }
0x7c: {  	_ =	shalt  }
0x7d: {  	_ =	shalt  }
0x7e: {  	_ =	shalt  }
0x7f: {  	_ =	shalt  }
0x80: {  	_ =	shalt  }
0x81: {  	_ =	shalt  }
0x82: {  	_ =	shalt  }
0x83: {  	_ =	shalt  }
0x84: {  	_ =	shalt  }
0x85: {  	_ =	shalt  }
0x86: {  	_ =	shalt  }
0x87: {  	_ =	shalt  }
.Lfunc_end0:
.L_simem_size_0:
called_computation_lowered:
.L_overlay_start_0:
0x88: {  	s0 =	sld [smem:$0x3FD9]  }
0x89: {  	s1 =	sld [smem:$0x3FFE];
	_ =	sdelay $0x3  }
0x8a: {  	s0 =	sadd.s32 s1, s0  }
0x8b: {  	[smem:$0x3FC5] =	sst s0  }
0x8c: {  	_ = 	snop  }
0x8d: {  	s0 =	sld [smem:$0x3FC9]  }
0x8e: {  	s17 =	sld [smem:$0x3FC8]  }
0x8f: {  	s2 =	sld [smem:$0x3FC7]  }
0x90: {  	s3 =	sld [smem:$0x3FD0];
	(tm) =	ssettm $0x1  }
0x91: {  	s4 =	sld [smem:$0x3FFB];
	_ =	sdelay $0x3  }
0x92: {  	_ =	strace s4  }
0x93: {  	s4 =	sld [smem:$0x3FFC];
	_ =	sdelay $0x3  }
0x94: {  	_ =	strace s4  }
0x95: {  	s4 =	sld [smem:$0x3FFD];
	_ =	sdelay $0x3  }
0x96: {  	_ =	strace s4  }
0x97: {  	_ =	strace $0x8FFFFFFF  }
0x98: {  	s18 =	sld [smem:$0x3FDB];
	_ =	sdelay $0x1  }
0x99: {  	s5 =	simm.s32 $_scs_section_size  }
0x9a: {  	s6 =	simm.s32 $_size__tile_overlayer_lowered;
	s7 =	simm.s32 $_tile_overlayer_lowered  }
0x9b: {  	s21 =	simm.s32 $0x1BFF;
	s20 =	sshll.u32 s7, $0x1;
	s4 =	sadd.s32 s5, s18  }
0x9c: {  	s8 =	simm.s32 $0x0;
	s19 =	sshll.u32 s6, $0x1;
	s6 =	sadd.s32 s20, s4  }
0x9d: {  	[timem:s8], [sflag:s21] =	dma.local [hbm:s6], s19  }
0x9e: {  	_ =	swait.ge [sflag:s21], s19  }
0x9f: {  	s5 =	ssub.s32 $0x0, s19;
	[sflag:s21] =	ssyncset.done $0x0  }
0xa0: {  	[sflag:s21] =	ssyncadd.s32 s5;
	_ =	sdelay $0x1  }
0xa1: {  	s22 =	simm.s32 $0x1B8B  }
0xa2: {  	_ =	swait.ge [sflag:s22], $0x1  }
0xa3: {  	[sflag:s22] =	ssyncset.done $0x0  }
0xa4: {  	s23 =	simm.s32 $0x1B8E;
	[sflag:s22] =	ssyncadd.s32 $0xFFFFFFFF  }
0xa5: {  	s24 =	simm.s32 $execute0_lowered;
	[smem:$0x3FD2] =	sst s23  }
0xa6: {  	s5 =	sshll.u32 s24, $0x1;
	_ =	strace $0x80000046;
	[dreg:$0x1] =	wrdreg $0xFFFFFFFF  }
0xa7: {  	s25 =	simm.s32 $_size_execute0_lowered;
	s4 =	sadd.s32 s4, s5;
	[dreg:$0x0] =	wrdreg $0x0  }
0xa8: {  	s5 =	sshll.u32 s25, $0x1;
	[dreg:$0x2] =	wrdreg s4  }
0xa9: {  	[dreg:$0x3] =	wrdreg s5  }
0xaa: {  	[dreg:$0x4] =	wrdreg $0xC0  }
0xab: {  	_ =	task [dreg:s8], $0x5FFFF  }
0xac: {  	[dreg:$0x1] =	wrdreg $0xFFFFFFFF  }
0xad: {  	[dreg:$0x0] =	wrdreg $0x60  }
0xae: {  	[dreg:$0x2] =	wrdreg s0  }
0xaf: {  	[dreg:$0x3] =	wrdreg s17  }
0xb0: {  	[dreg:$0x4] =	wrdreg s2  }
0xb1: {  	[dreg:$0x5] =	wrdreg s3  }
0xb2: {  	[dreg:$0x6] =	wrdreg $0x1C800  }
0xb3: {  	[dreg:$0x7] =	wrdreg $0x9  }
0xb4: {  	_ =	task.clear_ibuf [dreg:s8], $0x8FFFF;
	_ =	strace $0x90000046  }
0xb5: {  	s26 =	simm.s32 $0x9;
	_ =	strace $0x80000048  }
0xb6: {  	_ =	swait.ge [sflag:s26], $0x1  }
0xb7: {  	[sflag:s26] =	ssyncadd.s32 $0xFFFFFFFF  }
0xb8: {  	_ =	strace $0x90000048  }
0xb9: {  	_ =	sfence  }
0xba: {  	s28 =	sld [smem:$0x0];
	_ =	sdelay $0x1  }
0xbb: {  	s29 =	srdreg.scid  }
0xbc: {  	s30 =	sshll.u32 s29, $0xD;
	s31 =	sshrl.u32 s29, $0x2  }
0xbd: {  	s1 =	sand.u32 $0x1, s29;
	s2 =	sand.u32 $0x4000, s30;
	s0 =	sadd.s32 s31, s28  }
0xbe: {  	s1 =	sor.u32 s2, s1;
	s0 =	sshll.u32 s0, $0x11  }
0xbf: {  	s0 =	sor.u32 s0, s1  }
0xc0: {  	s0 =	sadd.s32 $0x8F2B, s0  }
0xc1: {  	[sflag:s0] =	ssyncadd.remote.s32 $0x1  }
0xc2: {  	_ =	sfence.sel $0xFFFF  }
0xc3: {  	[dreg:$0x0] =	wrdreg $0xFFFFFFFF;
	(pc) =	sbr.abs _section_cstart, $3  }
0xc4: {  	[dreg:$0x1] =	wrdreg $0xFFFFFFFF  }
0xc5: {  	_ =	task.clear_ibuf [dreg:s8], $0x2FFFF;
	_ =	strace $0x9FFFFFFF  }
0xc6: {  	(tm) =	ssettm $0x7FFFFFFF  }
0xc7: {  	_ =	shalt  }
tec
execute0_lowered:
.L_overlay_start_1:
0x0: {  	(tag) =	ssettag $0x1  }
0x1: {  	s5 =	rddreg [dreg:$0x0]  }
0x2: {  	s6 =	rddreg [dreg:$0x1]  }
0x3: {  	s7 =	rddreg [dreg:$0x2]  }
0x4: {  	s2 =	rddreg [dreg:$0x3]  }
0x5: {  	s4 =	rddreg [dreg:$0x4];
	s3 =	simm.s32 $0x0;
	s1 =	stileid.u32  }
0x6: {  	[smem:$0x7FF] =	sst s3;
	s8 =	sshll.u32 s1, $0x7  }
0x7: {  	s0 =	rddreg [dreg:$0x5];
	_ =	strace $0x80000047;
	s5 =	sadd.s32 s5, s8  }
0x8: {  	[tilespmem:s3], [sflag:$0x1] =	stream.linear.gather [hbm4b:s5+s3], $0x400, $0x38;
	[tilespmem:$0x1CA0] =	vst v63  }
0x9: {  	s28 =	simm.s32 $0x400;
	s26 =	sadd.s32 s6, s8  }
0xa: {  	[tilespmem:s28], [sflag:$0x1] =	stream.linear.gather [hbm4b:s26+s3], $0x400, $0x38;
	[tilespmem:$0x1CA0] =	vst v63  }
0xb: {  	s30 =	simm.s32 $0x800;
	s31 =	simm.s32 $0x1;
	s29 =	sadd.s32 s7, s8  }
0xc: {  	[tilespmem:s30], [sflag:$0x1] =	stream.linear.gather [hbm4b:s29+s3], $0x400, $0x38;
	[tilespmem:$0x1CA0] =	vst v63  }
0xd: {  	_ =	swait.ge [sflag:s31], $0x400  }
0xe: {  	[sflag:s31] =	ssyncset.done $0x0  }
0xf: {  	[sflag:s31] =	ssyncadd.s32 $0xFFFFFC00  }
0x10: {  	_ =	swait.ge [sflag:s31], $0x400  }
0x11: {  	[sflag:s31] =	ssyncset.done $0x0  }
0x12: {  	[sflag:s31] =	ssyncadd.s32 $0xFFFFFC00  }
0x13: {  	_ =	swait.ge [sflag:s31], $0x400  }
0x14: {  	[sflag:s31] =	ssyncset.done $0x0  }
0x15: {  	[sflag:s31] =	ssyncadd.s32 $0xFFFFFC00  }
0x16: {  	v0 =	vld [tilespmem:$0x400]  }
0x17: {  	v1 =	vld [tilespmem:$0x0]  }
0x18: {  	v2 =	vld [tilespmem:$0x800]  }
0x19: {  	v3 =	vld [tilespmem:$0x410]  }
0x1a: {  	v4 =	vld [tilespmem:$0x10]  }
0x1b: {  	v5 =	vld [tilespmem:$0x810]  }
0x1c: {  	v6 =	vld [tilespmem:$0x420]  }
0x1d: {  	v7 =	vld [tilespmem:$0x20]  }
0x1e: {  	v8 =	vld [tilespmem:$0x820]  }
0x1f: {  	v9 =	vld [tilespmem:$0x430]  }
0x20: {  	v10 =	vld [tilespmem:$0x30]  }
0x21: {  	v11 =	vld [tilespmem:$0x830]  }
0x22: {  	v12 =	vld [tilespmem:$0x440]  }
0x23: {  	v13 =	vld [tilespmem:$0x40]  }
0x24: {  	v14 =	vld [tilespmem:$0x840]  }
0x25: {  	v15 =	vld [tilespmem:$0x450]  }
0x26: {  	v16 =	vld [tilespmem:$0x50]  }
0x27: {  	v17 =	vld [tilespmem:$0x850]  }
0x28: {  	v18 =	vld [tilespmem:$0x460]  }
0x29: {  	v19 =	vld [tilespmem:$0x60]  }
0x2a: {  	v20 =	vld [tilespmem:$0x860]  }
0x2b: {  	v21 =	vld [tilespmem:$0x470]  }
0x2c: {  	v22 =	vld [tilespmem:$0x70]  }
0x2d: {  	v23 =	vld [tilespmem:$0x870]  }
0x2e: {  	v24 =	vld [tilespmem:$0x480]  }
0x2f: {  	v25 =	vld [tilespmem:$0x80]  }
0x30: {  	v26 =	vld [tilespmem:$0x880]  }
0x31: {  	v27 =	vld [tilespmem:$0x490]  }
0x32: {  	v28 =	vld [tilespmem:$0x90]  }
0x33: {  	v29 =	vld [tilespmem:$0x890]  }
0x34: {  	v30 =	vld [tilespmem:$0x4A0]  }
0x35: {  	v31 =	vld [tilespmem:$0xA0]  }
0x36: {  	v32 =	vld [tilespmem:$0x8A0]  }
0x37: {  	v33 =	vld [tilespmem:$0x4B0]  }
0x38: {  	v34 =	vld [tilespmem:$0xB0]  }
0x39: {  	v35 =	vld [tilespmem:$0x8B0]  }
0x3a: {  	v36 =	vld [tilespmem:$0x4C0]  }
0x3b: {  	v37 =	vld [tilespmem:$0xC0]  }
0x3c: {  	v38 =	vld [tilespmem:$0x8C0]  }
0x3d: {  	v39 =	vld [tilespmem:$0x4D0]  }
0x3e: {  	v40 =	vld [tilespmem:$0xD0]  }
0x3f: {  	v41 =	vld [tilespmem:$0xE0]  }
0x40: {  	v42 =	vld [tilespmem:$0x4F0]  }
0x41: {  	v1 =	vsub.f32 v1, v2;
	v2 =	vcvt.s32.f32 v3;
	v3 =	vsub.f32 v4, v5;
	v4 =	vld [tilespmem:$0x8D0]  }
0x42: {  	v5 =	vld [tilespmem:$0x4E0]  }
0x43: {  	v7 =	vsub.f32 v7, v8;
	v8 =	vld [tilespmem:$0x8E0]  }
0x44: {  	v10 =	vsub.f32 v10, v11;
	v11 =	vld [tilespmem:$0xF0]  }
0x45: {  	v13 =	vsub.f32 v13, v14;
	v14 =	vld [tilespmem:$0x100]  }
0x46: {  	v62 =	vsub.f32 v16, v17;
	v16 =	vld [tilespmem:$0x510]  }
0x47: {  	v61 =	vcvt.s32.f32 v15;
	v15 =	vld [tilespmem:$0x910]  }
0x48: {  	v44 =	vsub.f32 v19, v20;
	v19 =	vld [tilespmem:$0x520]  }
0x49: {  	v47 =	vcvt.s32.f32 v21;
	v21 =	vld [tilespmem:$0x920]  }
0x4a: {  	v20 =	vld [tilespmem:$0x130]  }
0x4b: {  	v50 =	vcvt.s32.f32 v24;
	v24 =	vld [tilespmem:$0x930]  }
0x4c: {  	v51 =	vsub.f32 v25, v26;
	v26 =	vld [tilespmem:$0x140]  }
0x4d: {  	v25 =	vld [tilespmem:$0x550]  }
0x4e: {  	v55 =	vsub.f32 v28, v29;
	v29 =	vld [tilespmem:$0x150]  }
0x4f: {  	v43 =	vcvt.s32.f32 v18;
	v18 =	vld [tilespmem:$0x950]  }
0x50: {  	v58 =	vsub.f32 v31, v32;
	v31 =	vld [tilespmem:$0x560]  }
0x51: {  	v9 =	vcvt.s32.f32 v9;
	v32 =	vld [tilespmem:$0x640]  }
0x52: {  	v12 =	vcvt.s32.f32 v12;
	v57 =	vcvt.s32.f32 v30;
	v30 =	vld [tilespmem:$0x2D0]  }
0x53: {  	v48 =	vsub.f32 v22, v23;
	v59 =	vmul.f32 v9, v10;
	v10 =	vld [tilespmem:$0x500]  }
0x54: {  	v0 =	vcvt.s32.f32 v0;
	v60 =	vmul.f32 v12, v13;
	v13 =	vld [tilespmem:$0x540]  }
0x55: {  	v54 =	vcvt.s32.f32 v27;
	v49 =	vmul.f32 v47, v48;
	v48 =	vld [tilespmem:$0x170]  }
0x56: {  	v6 =	vcvt.s32.f32 v6;
	v53 =	vmul.f32 v50, v51;
	v51 =	vld [tilespmem:$0x970]  }
0x57: {  	v56 =	vmul.f32 v54, v55;
	v55 =	vcvt.s32.f32 v42;
	v42 =	vld [tilespmem:$0x1F0]  }
0x58: {  	v63 =	vmul.f32 v61, v62;
	v62 =	vsub.f32 v34, v35;
	v34 =	vld [tilespmem:$0xA40]  }
0x59: {  	v1 =	vmul.f32 v0, v1;
	v7 =	vmul.f32 v6, v7;
	v0 =	vadd.f32 v2, v0;
	v35 =	vld [tilespmem:$0x650]  }
0x5a: {  	v46 =	vmul.f32 v43, v44;
	v44 =	vcvt.s32.f32 v36;
	v36 =	vld [tilespmem:$0xA50]  }
0x5b: {  	v3 =	vmul.f32 v2, v3;
	v2 =	vmul.f32 v7, v7;
	v0 =	vadd.f32 v6, v0;
	v6 =	vld [tilespmem:$0x900]  }
0x5c: {  	v7 =	vmul.f32 v60, v60;
	v17 =	vmul.f32 v53, v53;
	v53 =	vld [tilespmem:$0x180]  }
0x5d: {  	v60 =	vmul.f32 v57, v58;
	v58 =	vcvt.s32.f32 v16;
	v16 =	vld [tilespmem:$0x9B0]  }
0x5e: {  	v4 =	vsub.f32 v40, v4;
	v40 =	vld [tilespmem:$0x5F0]  }
0x5f: {  	v1 =	vmul.f32 v1, v1;
	v3 =	vmul.f32 v3, v3;
	v18 =	vsub.f32 v29, v18;
	v29 =	vld [tilespmem:$0x6D0]  }
0x60: {  	v8 =	vsub.f32 v41, v8;
	v41 =	vcvt.s32.f32 v31;
	v31 =	vld [tilespmem:$0x6E0]  }
0x61: {  	v1 =	vadd.f32 v3, v1;
	v3 =	vld [tilespmem:$0x8F0]  }
0x62: {  	v0 =	vadd.f32 v9, v0;
	v9 =	vld [tilespmem:$0x120]  }
0x63: {  	v23 =	vsub.f32 v48, v51;
	v48 =	vld [tilespmem:$0x200]  }
0x64: {  	v51 =	vld [tilespmem:$0x610]  }
0x65: {  	v0 =	vadd.f32 v12, v0;
	v12 =	vmul.f32 v46, v46;
	v46 =	vld [tilespmem:$0x570]  }
0x66: {  	v1 =	vadd.f32 v2, v1;
	v2 =	vmul.f32 v59, v59;
	v59 =	vmul.f32 v56, v56;
	v56 =	vld [tilespmem:$0x190]  }
0x67: {  	v6 =	vsub.f32 v14, v6;
	v14 =	vld [tilespmem:$0x1A0]  }
0x68: {  	v1 =	vadd.f32 v2, v1;
	v2 =	vld [tilespmem:$0x110]  }
0x69: {  	v0 =	vadd.f32 v61, v0;
	v61 =	vcvt.s32.f32 v33;
	v33 =	vld [tilespmem:$0x5A0]  }
0x6a: {  	v45 =	vmul.f32 v63, v63;
	v9 =	vsub.f32 v9, v21;
	v21 =	vld [tilespmem:$0x5C0];
	v1 =	vadd.f32 v7, v1  }
0x6b: {  	v7 =	vld [tilespmem:$0x530];
	v0 =	vadd.f32 v43, v0;
	v63 =	vmul.f32 v61, v62  }
0x6c: {  	v52 =	vmul.f32 v49, v49;
	v19 =	vcvt.s32.f32 v19;
	v43 =	vld [tilespmem:$0x960];
	v1 =	vadd.f32 v45, v1  }
0x6d: {  	v0 =	vadd.f32 v47, v0;
	v47 =	vmul.f32 v63, v63;
	v63 =	vcvt.s32.f32 v25;
	v25 =	vld [tilespmem:$0x1E0]  }
0x6e: {  	v9 =	vmul.f32 v19, v9;
	v45 =	vsub.f32 v37, v38;
	v37 =	vld [tilespmem:$0x9E0];
	v1 =	vadd.f32 v12, v1  }
0x6f: {  	v2 =	vsub.f32 v2, v15;
	v15 =	vld [tilespmem:$0x5B0]  }
0x70: {  	v22 =	vmul.f32 v60, v60;
	v60 =	vmul.f32 v9, v9;
	v9 =	vld [tilespmem:$0x5E0];
	v1 =	vadd.f32 v52, v1  }
0x71: {  	v5 =	vcvt.s32.f32 v5;
	v12 =	vld [tilespmem:$0x940];
	v0 =	vadd.f32 v50, v0;
	v50 =	vcvt.s32.f32 v39  }
0x72: {  	v39 =	vmul.f32 v63, v18;
	v18 =	vcvt.s32.f32 v40;
	v40 =	vld [tilespmem:$0xA60];
	v1 =	vadd.f32 v17, v1  }
0x73: {  	v8 =	vmul.f32 v5, v8;
	v10 =	vcvt.s32.f32 v10;
	v0 =	vadd.f32 v54, v0;
	v52 =	vld [tilespmem:$0x580]  }
0x74: {  	v3 =	vsub.f32 v11, v3;
	v54 =	vld [tilespmem:$0x980];
	v1 =	vadd.f32 v59, v1  }
0x75: {  	v8 =	vmul.f32 v8, v8;
	v6 =	vmul.f32 v10, v6;
	v17 =	vld [tilespmem:$0x160];
	v0 =	vadd.f32 v57, v0  }
0x76: {  	v3 =	vmul.f32 v55, v3;
	v49 =	vmul.f32 v44, v45;
	v57 =	vld [tilespmem:$0x990];
	v1 =	vadd.f32 v22, v1  }
0x77: {  	v46 =	vcvt.s32.f32 v46;
	v0 =	vadd.f32 v61, v0;
	v59 =	vsub.f32 v20, v24;
	v20 =	vld [tilespmem:$0x9C0]  }
0x78: {  	v27 =	vmul.f32 v49, v49;
	v4 =	vmul.f32 v50, v4;
	v24 =	vld [tilespmem:$0x9D0];
	v1 =	vadd.f32 v47, v1  }
0x79: {  	v7 =	vcvt.s32.f32 v7;
	v28 =	vsub.f32 v53, v54;
	v53 =	vld [tilespmem:$0x210];
	v0 =	vadd.f32 v44, v0  }
0x7a: {  	v49 =	vmul.f32 v46, v23;
	v4 =	vmul.f32 v4, v4;
	v44 =	vld [tilespmem:$0x9F0];
	v1 =	vadd.f32 v27, v1  }
0x7b: {  	v61 =	vmul.f32 v7, v59;
	v59 =	vcvt.s32.f32 v33;
	v33 =	vld [tilespmem:$0x240];
	v0 =	vadd.f32 v50, v0  }
0x7c: {  	v22 =	vcvt.s32.f32 v52;
	v52 =	vmul.f32 v49, v49;
	v49 =	vld [tilespmem:$0x690];
	v1 =	vadd.f32 v4, v1  }
0x7d: {  	v17 =	vsub.f32 v17, v43;
	v43 =	vmul.f32 v39, v39;
	v39 =	vld [tilespmem:$0x260];
	v0 =	vadd.f32 v5, v0  }
0x7e: {  	v3 =	vmul.f32 v3, v3;
	v47 =	vld [tilespmem:$0x600];
	v1 =	vadd.f32 v8, v1  }
0x7f: {  	v6 =	vmul.f32 v6, v6;
	v50 =	vld [tilespmem:$0xA00];
	v0 =	vadd.f32 v55, v0  }
0x80: {  	v2 =	vmul.f32 v58, v2;
	v62 =	vmul.f32 v61, v61;
	v61 =	vld [tilespmem:$0x630];
	v1 =	vadd.f32 v3, v1  }
0x81: {  	v54 =	vmul.f32 v22, v28;
	v28 =	vld [tilespmem:$0xAC0];
	v0 =	vadd.f32 v10, v0  }
0x82: {  	v2 =	vmul.f32 v2, v2;
	v27 =	vld [tilespmem:$0x590];
	v1 =	vadd.f32 v6, v1  }
0x83: {  	v5 =	vld [tilespmem:$0x9A0];
	v0 =	vadd.f32 v58, v0  }
0x84: {  	v13 =	vcvt.s32.f32 v13;
	v12 =	vsub.f32 v26, v12;
	v55 =	vld [tilespmem:$0xA10];
	v1 =	vadd.f32 v2, v1  }
0x85: {  	v4 =	vsub.f32 v56, v57;
	v56 =	vld [tilespmem:$0x620];
	v0 =	vadd.f32 v19, v0  }
0x86: {  	v12 =	vmul.f32 v13, v12;
	v57 =	vmul.f32 v54, v54;
	v54 =	vld [tilespmem:$0x2A0];
	v1 =	vadd.f32 v60, v1  }
0x87: {  	v45 =	vmul.f32 v41, v17;
	v17 =	vcvt.s32.f32 v61;
	v61 =	vld [tilespmem:$0x6C0];
	v0 =	vadd.f32 v7, v0  }
0x88: {  	v38 =	vmul.f32 v12, v12;
	v10 =	vld [tilespmem:$0x1D0];
	v1 =	vadd.f32 v62, v1  }
0x89: {  	v8 =	vsub.f32 v25, v37;
	v37 =	vld [tilespmem:$0x660];
	v0 =	vadd.f32 v13, v0  }
0x8a: {  	v25 =	vld [tilespmem:$0xB60];
	v1 =	vadd.f32 v38, v1  }
0x8b: {  	v3 =	vld [tilespmem:$0x1B0];
	v0 =	vadd.f32 v63, v0  }
0x8c: {  	v58 =	vld [tilespmem:$0x220];
	v13 =	vmul.f32 v45, v45;
	v1 =	vadd.f32 v43, v1  }
0x8d: {  	v11 =	vsub.f32 v53, v55;
	v53 =	vld [tilespmem:$0x6A0];
	v0 =	vadd.f32 v41, v0  }
0x8e: {  	v27 =	vcvt.s32.f32 v27;
	v5 =	vsub.f32 v14, v5;
	v6 =	vld [tilespmem:$0x1C0];
	v1 =	vadd.f32 v13, v1  }
0x8f: {  	v10 =	vsub.f32 v10, v24;
	v24 =	vld [tilespmem:$0x360];
	v0 =	vadd.f32 v46, v0  }
0x90: {  	v4 =	vmul.f32 v27, v4;
	v2 =	vld [tilespmem:$0x5D0];
	v7 =	vsub.f32 v48, v50;
	v1 =	vadd.f32 v52, v1  }
0x91: {  	v15 =	vcvt.s32.f32 v15;
	v48 =	vld [tilespmem:$0x280];
	v3 =	vsub.f32 v3, v16;
	v0 =	vadd.f32 v22, v0  }
0x92: {  	v5 =	vmul.f32 v59, v5;
	v4 =	vmul.f32 v4, v4;
	v50 =	vld [tilespmem:$0x290];
	v1 =	vadd.f32 v57, v1  }
0x93: {  	v21 =	vcvt.s32.f32 v21;
	v60 =	vld [tilespmem:$0xA20];
	v3 =	vmul.f32 v15, v3;
	v0 =	vadd.f32 v27, v0  }
0x94: {  	v5 =	vmul.f32 v5, v5;
	v45 =	vld [tilespmem:$0xA70];
	v6 =	vsub.f32 v6, v20;
	v1 =	vadd.f32 v4, v1  }
0x95: {  	v16 =	vcvt.s32.f32 v53;
	v53 =	vld [tilespmem:$0xB30];
	v3 =	vmul.f32 v3, v3;
	v0 =	vadd.f32 v59, v0  }
0x96: {  	v62 =	vld [tilespmem:$0x230];
	v6 =	vmul.f32 v21, v6;
	v2 =	vcvt.s32.f32 v2;
	v1 =	vadd.f32 v5, v1  }
0x97: {  	v9 =	vcvt.s32.f32 v9;
	v12 =	vsub.f32 v42, v44;
	v63 =	vld [tilespmem:$0xA30];
	v0 =	vadd.f32 v15, v0  }
0x98: {  	v41 =	vld [tilespmem:$0x670];
	v6 =	vmul.f32 v6, v6;
	v10 =	vmul.f32 v2, v10;
	v1 =	vadd.f32 v3, v1  }
0x99: {  	v14 =	vsub.f32 v58, v60;
	v58 =	vld [tilespmem:$0x2B0];
	v0 =	vadd.f32 v21, v0  }
0x9a: {  	v8 =	vmul.f32 v9, v8;
	v60 =	vld [tilespmem:$0xAB0];
	v38 =	vmul.f32 v10, v10;
	v1 =	vadd.f32 v6, v1  }
0x9b: {  	v42 =	vmul.f32 v18, v12;
	v43 =	vld [tilespmem:$0x270];
	v0 =	vadd.f32 v2, v0  }
0x9c: {  	v44 =	vcvt.s32.f32 v47;
	v46 =	vld [tilespmem:$0x680];
	v2 =	vmul.f32 v8, v8;
	v1 =	vadd.f32 v38, v1  }
0x9d: {  	v47 =	vcvt.s32.f32 v51;
	v10 =	vsub.f32 v39, v40;
	v39 =	vld [tilespmem:$0x700];
	v0 =	vadd.f32 v9, v0  }
0x9e: {  	v7 =	vmul.f32 v44, v7;
	v40 =	vld [tilespmem:$0x300];
	v1 =	vadd.f32 v2, v1;
	v2 =	vmul.f32 v42, v42  }
0x9f: {  	v11 =	vmul.f32 v47, v11;
	v13 =	vcvt.s32.f32 v56;
	v56 =	vld [tilespmem:$0xAA0];
	v0 =	vadd.f32 v18, v0  }
0xa0: {  	v7 =	vmul.f32 v7, v7;
	v22 =	vcvt.s32.f32 v32;
	v32 =	vld [tilespmem:$0x2E0];
	v1 =	vadd.f32 v2, v1  }
0xa1: {  	v14 =	vmul.f32 v13, v14;
	v4 =	vsub.f32 v62, v63;
	v3 =	vld [tilespmem:$0x250];
	v0 =	vadd.f32 v44, v0  }
0xa2: {  	v51 =	vmul.f32 v11, v11;
	v52 =	vld [tilespmem:$0xA90];
	v12 =	vsub.f32 v43, v45;
	v1 =	vadd.f32 v7, v1  }
0xa3: {  	v27 =	vld [tilespmem:$0x770];
	v55 =	vmul.f32 v14, v14;
	v4 =	vmul.f32 v17, v4;
	v0 =	vadd.f32 v47, v0  }
0xa4: {  	v43 =	vld [tilespmem:$0x310];
	v59 =	vcvt.s32.f32 v35;
	v5 =	vsub.f32 v33, v34;
	v1 =	vadd.f32 v51, v1  }
0xa5: {  	v57 =	vld [tilespmem:$0x6B0];
	v63 =	vcvt.s32.f32 v37;
	v4 =	vmul.f32 v4, v4;
	v0 =	vadd.f32 v13, v0  }
0xa6: {  	v35 =	vld [tilespmem:$0x6F0];
	v5 =	vmul.f32 v22, v5;
	v3 =	vsub.f32 v3, v36;
	v1 =	vadd.f32 v55, v1  }
0xa7: {  	v10 =	vmul.f32 v63, v10;
	v2 =	vld [tilespmem:$0xA80];
	v0 =	vadd.f32 v17, v0  }
0xa8: {  	v62 =	vld [tilespmem:$0x2C0];
	v5 =	vmul.f32 v5, v5;
	v3 =	vmul.f32 v59, v3;
	v1 =	vadd.f32 v4, v1  }
0xa9: {  	v11 =	vsub.f32 v50, v52;
	v52 =	vld [tilespmem:$0x330];
	v10 =	vmul.f32 v10, v10;
	v0 =	vadd.f32 v22, v0  }
0xaa: {  	v34 =	vld [tilespmem:$0xAE0];
	v6 =	vcvt.s32.f32 v41;
	v3 =	vmul.f32 v3, v3;
	v1 =	vadd.f32 v5, v1  }
0xab: {  	v21 =	vld [tilespmem:$0xB50];
	v8 =	vcvt.s32.f32 v46;
	v41 =	vcvt.s32.f32 v57;
	v0 =	vadd.f32 v59, v0  }
0xac: {  	v46 =	vld [tilespmem:$0x720];
	v12 =	vmul.f32 v6, v12;
	v2 =	vsub.f32 v48, v2;
	v1 =	vadd.f32 v3, v1  }
0xad: {  	v9 =	vsub.f32 v58, v60;
	v60 =	vld [tilespmem:$0x750];
	v18 =	vcvt.s32.f32 v49;
	v0 =	vadd.f32 v63, v0  }
0xae: {  	v38 =	vld [tilespmem:$0xAF0];
	v33 =	vmul.f32 v12, v12;
	v2 =	vmul.f32 v8, v2;
	v1 =	vadd.f32 v10, v1  }
0xaf: {  	v9 =	vmul.f32 v41, v9;
	v49 =	vld [tilespmem:$0xB20];
	v37 =	vmul.f32 v18, v11;
	v0 =	vadd.f32 v6, v0  }
0xb0: {  	v36 =	vld [tilespmem:$0x2F0];
	v7 =	vsub.f32 v54, v56;
	v2 =	vmul.f32 v2, v2;
	v1 =	vadd.f32 v33, v1  }
0xb1: {  	v45 =	vmul.f32 v9, v9;
	v3 =	vld [tilespmem:$0xAD0];
	v0 =	vadd.f32 v8, v0  }
0xb2: {  	v42 =	vld [tilespmem:$0xB00];
	v7 =	vmul.f32 v16, v7;
	v1 =	vadd.f32 v2, v1;
	v2 =	vmul.f32 v37, v37  }
0xb3: {  	v44 =	vld [tilespmem:$0xB10];
	v17 =	vsub.f32 v62, v28;
	v4 =	vcvt.s32.f32 v61;
	v0 =	vadd.f32 v18, v0  }
0xb4: {  	v12 =	vsub.f32 v32, v34;
	v32 =	vld [tilespmem:$0x380];
	v7 =	vmul.f32 v7, v7;
	v1 =	vadd.f32 v2, v1  }
0xb5: {  	v34 =	vcvt.s32.f32 v60;
	v60 =	vld [tilespmem:$0xBF0];
	v47 =	vmul.f32 v4, v17;
	v0 =	vadd.f32 v16, v0  }
0xb6: {  	v56 =	vld [tilespmem:$0x740];
	v5 =	vcvt.s32.f32 v29;
	v3 =	vsub.f32 v30, v3;
	v1 =	vadd.f32 v7, v1  }
0xb7: {  	v14 =	vcvt.s32.f32 v39;
	v13 =	vcvt.s32.f32 v31;
	v31 =	vld [tilespmem:$0x780];
	v0 =	vadd.f32 v41, v0  }
0xb8: {  	v51 =	vld [tilespmem:$0x730];
	v50 =	vmul.f32 v47, v47;
	v3 =	vmul.f32 v5, v3;
	v1 =	vadd.f32 v45, v1  }
0xb9: {  	v54 =	vmul.f32 v13, v12;
	v55 =	vcvt.s32.f32 v35;
	v2 =	vld [tilespmem:$0x710];
	v0 =	vadd.f32 v4, v0  }
0xba: {  	v62 =	vld [tilespmem:$0x350];
	v10 =	vsub.f32 v36, v38;
	v3 =	vmul.f32 v3, v3;
	v1 =	vadd.f32 v50, v1  }
0xbb: {  	v9 =	vcvt.s32.f32 v46;
	v48 =	vld [tilespmem:$0x320];
	v6 =	vsub.f32 v40, v42;
	v0 =	vadd.f32 v5, v0  }
0xbc: {  	v57 =	vmul.f32 v54, v54;
	v22 =	vld [tilespmem:$0x760];
	v58 =	vmul.f32 v55, v10;
	v1 =	vadd.f32 v3, v1  }
0xbd: {  	v35 =	vld [tilespmem:$0x790];
	v63 =	vsub.f32 v43, v44;
	v6 =	vmul.f32 v14, v6;
	v0 =	vadd.f32 v13, v0  }
0xbe: {  	v59 =	vld [tilespmem:$0xB40];
	v61 =	vmul.f32 v58, v58;
	v2 =	vcvt.s32.f32 v2;
	v1 =	vadd.f32 v57, v1  }
0xbf: {  	v11 =	vcvt.s32.f32 v56;
	v6 =	vmul.f32 v6, v6;
	v3 =	vld [tilespmem:$0x340];
	v0 =	vadd.f32 v55, v0  }
0xc0: {  	v56 =	vld [tilespmem:$0xBE0];
	v7 =	vsub.f32 v48, v49;
	v23 =	vmul.f32 v2, v63;
	v1 =	vadd.f32 v61, v1  }
0xc1: {  	v28 =	vcvt.s32.f32 v51;
	v51 =	vld [tilespmem:$0x3D0];
	v4 =	vsub.f32 v52, v53;
	v0 =	vadd.f32 v14, v0  }
0xc2: {  	v29 =	vld [tilespmem:$0x370];
	v7 =	vmul.f32 v9, v7;
	v26 =	vmul.f32 v23, v23;
	v1 =	vadd.f32 v6, v1  }
0xc3: {  	v43 =	vld [tilespmem:$0xBB0];
	v4 =	vmul.f32 v28, v4;
	v0 =	vadd.f32 v2, v0  }
0xc4: {  	v40 =	vld [tilespmem:$0xBA0];
	v2 =	vmul.f32 v7, v7;
	v3 =	vsub.f32 v3, v59;
	v1 =	vadd.f32 v26, v1  }
0xc5: {  	v8 =	vsub.f32 v62, v21;
	v30 =	vld [tilespmem:$0xB70];
	v0 =	vadd.f32 v9, v0  }
0xc6: {  	v33 =	vld [tilespmem:$0xB80];
	v3 =	vmul.f32 v11, v3;
	v1 =	vadd.f32 v2, v1;
	v2 =	vmul.f32 v4, v4  }
0xc7: {  	v42 =	vld [tilespmem:$0x3B0];
	v5 =	vcvt.s32.f32 v22;
	v13 =	vsub.f32 v24, v25;
	v0 =	vadd.f32 v28, v0  }
0xc8: {  	v36 =	vld [tilespmem:$0xB90];
	v8 =	vmul.f32 v34, v8;
	v3 =	vmul.f32 v3, v3;
	v1 =	vadd.f32 v2, v1  }
0xc9: {  	v12 =	vcvt.s32.f32 v27;
	v39 =	vmul.f32 v5, v13;
	v0 =	vadd.f32 v11, v0;
	v2 =	vld [tilespmem:$0x390]  }
0xca: {  	v47 =	vld [tilespmem:$0x3C0];
	v6 =	vsub.f32 v29, v30;
	v1 =	vadd.f32 v3, v1;
	v3 =	vmul.f32 v8, v8  }
0xcb: {  	v38 =	vld [tilespmem:$0x3A0];
	v7 =	vcvt.s32.f32 v31;
	v4 =	vsub.f32 v32, v33;
	v0 =	vadd.f32 v34, v0  }
0xcc: {  	v37 =	vld [tilespmem:$0x7A0];
	v41 =	vmul.f32 v39, v39;
	v6 =	vmul.f32 v12, v6;
	v1 =	vadd.f32 v3, v1  }
0xcd: {  	v46 =	vcvt.s32.f32 v35;
	v48 =	vld [tilespmem:$0xBC0];
	v4 =	vmul.f32 v7, v4;
	v0 =	vadd.f32 v5, v0  }
0xce: {  	v44 =	vmul.f32 v6, v6;
	v3 =	vld [tilespmem:$0x7B0];
	v2 =	vsub.f32 v2, v36;
	v1 =	vadd.f32 v41, v1  }
0xcf: {  	v45 =	vld [tilespmem:$0x7C0];
	v4 =	vmul.f32 v4, v4  }
0xd0: {  	v49 =	vld [tilespmem:$0x7D0];
	v0 =	vadd.f32 v12, v0;
	v2 =	vmul.f32 v46, v2;
	v1 =	vadd.f32 v44, v1  }
0xd1: {  	v54 =	vsub.f32 v42, v43;
	v52 =	vld [tilespmem:$0xBD0];
	v50 =	vcvt.s32.f32 v37;
	v8 =	vsub.f32 v38, v40  }
0xd2: {  	v55 =	vld [tilespmem:$0x7E0];
	v0 =	vadd.f32 v7, v0;
	v2 =	vmul.f32 v2, v2;
	v1 =	vadd.f32 v4, v1  }
0xd3: {  	v57 =	vld [tilespmem:$0x7F0];
	v5 =	vsub.f32 v47, v48;
	v53 =	vmul.f32 v50, v8;
	v3 =	vcvt.s32.f32 v3  }
0xd4: {  	v6 =	vcvt.s32.f32 v45;
	v0 =	vadd.f32 v46, v0;
	v1 =	vadd.f32 v2, v1;
	v2 =	vld [tilespmem:$0x3E0]  }
0xd5: {  	v59 =	vld [tilespmem:$0x3F0];
	v7 =	vmul.f32 v53, v53;
	v8 =	vmul.f32 v3, v54  }
0xd6: {  	v5 =	vmul.f32 v6, v5;
	v12 =	vcvt.s32.f32 v49;
	v0 =	vadd.f32 v50, v0  }
0xd7: {  	v4 =	vsub.f32 v51, v52;
	v58 =	vmul.f32 v8, v8;
	v1 =	vadd.f32 v7, v1  }
0xd8: {  	v61 =	vcvt.s32.f32 v55;
	v0 =	vadd.f32 v3, v0;
	v3 =	vmul.f32 v5, v5  }
0xd9: {  	v4 =	vmul.f32 v12, v4;
	v1 =	vadd.f32 v58, v1;
	v2 =	vsub.f32 v2, v56  }
0xda: {  	v63 =	vcvt.s32.f32 v57;
	v62 =	vsub.f32 v59, v60;
	v0 =	vadd.f32 v6, v0  }
0xdb: {  	v1 =	vadd.f32 v3, v1;
	v3 =	vmul.f32 v4, v4;
	v2 =	vmul.f32 v61, v2  }
0xdc: {  	p0 =	seq.s32 s1, $0x0;
	v0 =	vadd.f32 v12, v0  }
.Ltmp0:
0xdd: {  	v1 =	vadd.f32 v3, v1;
	v3 =	vmul.f32 v63, v62;
	v2 =	vmul.f32 v2, v2;
	(pc) =	sbr.rel @p0 .LBB2_2-.Ltmp0, $3  }
0xde: {  	_ = 	snop  }
0xdf: {  	v0 =	vadd.f32 v61, v0;
	v1 =	vadd.f32 v2, v1;
	v2 =	vmul.f32 v3, v3;
	_ =	sdelay $0x1  }
0xe0: {  	v0 =	vadd.f32 v63, v0;
	v1 =	vadd.f32 v2, v1  }
0xe1: {  	_ = 	snop  }
0xe2: {  	s2 =	sshll.u32 s1, $0x8;
	[tilespmem:$0xC00] =	vst v1  }
0xe3: {  	s3 =	simm.s32 $0xC00;
	s31 =	simm.s32 $0x2;
	s2 =	sadd.s32 s2, s4;
	[tilespmem:$0xC80] =	vst v0  }
0xe4: {  	[spmem:s2] =	stream.linear.scatter [tilespmem:s3], [sflag:$0x2], $0x100, $0x38;
	[tilespmem:$0x1CA0] =	vst v63  }
.Ltmp1:
0xe5: {  	_ =	swait.ge [sflag:s31], $0x100;
	(pc) =	sbr.rel .LBB2_3-.Ltmp1, $3  }
0xe6: {  	[sflag:s31] =	ssyncset.done $0x0  }
0xe7: {  	[sflag:s31] =	ssyncadd.s32 $0xFFFFFF00  }
0xe8: {  	[bflag:$0x0] =	sbarrier.arrive $0xFFFF;
	_ =	sdelay $0x1  }
.LBB2_2:
0xe9: {  	s4 =	sadd.s32 $0x100, s4  }
0xea: {  	[bflag:$0x0] =	sbarrier.arrive $0xFFFF;
	s5 =	simm.s32 $0xD00;
	s30 =	simm.s32 $0x2  }
0xeb: {  	[tilespmem:s5], [sflag:$0x2] =	stream.linear.gather [spmem:s4], $0xF00, $0x38;
	[tilespmem:$0x1CA0] =	vst v63  }
0xec: {  	_ =	swait.ge [sflag:s30], $0xF00  }
0xed: {  	[sflag:s30] =	ssyncset.done $0x0  }
0xee: {  	[sflag:s30] =	ssyncadd.s32 $0xFFFFF100  }
0xef: {  	v2 =	vld [tilespmem:$0xD00]  }
0xf0: {  	v3 =	vld [tilespmem:$0xD80]  }
0xf1: {  	v4 =	vld [tilespmem:$0xE00]  }
0xf2: {  	v5 =	vld [tilespmem:$0xE80]  }
0xf3: {  	v6 =	vld [tilespmem:$0xF00]  }
0xf4: {  	v26 =	vld [tilespmem:$0xF80];
	v1 =	vadd.f32 v2, v1  }
0xf5: {  	v27 =	vld [tilespmem:$0x1000];
	v0 =	vadd.f32 v3, v0  }
0xf6: {  	v28 =	vld [tilespmem:$0x1080];
	v1 =	vadd.f32 v4, v1  }
0xf7: {  	v29 =	vld [tilespmem:$0x1100];
	v0 =	vadd.f32 v5, v0  }
0xf8: {  	v30 =	vld [tilespmem:$0x1180];
	v1 =	vadd.f32 v6, v1  }
0xf9: {  	v31 =	vld [tilespmem:$0x1200];
	v0 =	vadd.f32 v26, v0  }
0xfa: {  	v32 =	vld [tilespmem:$0x1280];
	v1 =	vadd.f32 v27, v1  }
0xfb: {  	v33 =	vld [tilespmem:$0x1300];
	v0 =	vadd.f32 v28, v0  }
0xfc: {  	v34 =	vld [tilespmem:$0x1380];
	v1 =	vadd.f32 v29, v1  }
0xfd: {  	v35 =	vld [tilespmem:$0x1400];
	v0 =	vadd.f32 v30, v0  }
0xfe: {  	v36 =	vld [tilespmem:$0x1480];
	v1 =	vadd.f32 v31, v1  }
0xff: {  	v37 =	vld [tilespmem:$0x1500];
	v0 =	vadd.f32 v32, v0  }
0x100: {  	v38 =	vld [tilespmem:$0x1580];
	v1 =	vadd.f32 v33, v1  }
0x101: {  	v39 =	vld [tilespmem:$0x1600];
	v0 =	vadd.f32 v34, v0  }
0x102: {  	v40 =	vld [tilespmem:$0x1680];
	v1 =	vadd.f32 v35, v1  }
0x103: {  	v41 =	vld [tilespmem:$0x1700];
	v0 =	vadd.f32 v36, v0  }
0x104: {  	v42 =	vld [tilespmem:$0x1780];
	v1 =	vadd.f32 v37, v1  }
0x105: {  	v43 =	vld [tilespmem:$0x1800];
	v0 =	vadd.f32 v38, v0  }
0x106: {  	v44 =	vld [tilespmem:$0x1880];
	v1 =	vadd.f32 v39, v1  }
0x107: {  	v45 =	vld [tilespmem:$0x1900];
	v0 =	vadd.f32 v40, v0  }
0x108: {  	v7 =	vimm.s32 $0xEFCDAB89;
	v8 =	vimm.s32 $0x67452301;
	v46 =	vld [tilespmem:$0x1980];
	v1 =	vadd.f32 v41, v1  }
0x109: {  	v7 =	vunpack.c.l.s4.s8 v7;
	v8 =	vunpack.c.l.s4.s8 v8;
	v47 =	vld [tilespmem:$0x1A00];
	v0 =	vadd.f32 v42, v0  }
0x10a: {  	v48 =	vld [tilespmem:$0x1A80];
	v1 =	vadd.f32 v43, v1  }
0x10b: {  	v7 =	vunpack.c.0.s8.s32 v7;
	v8 =	vunpack.c.0.s8.s32 v8;
	v49 =	vld [tilespmem:$0x1B00];
	v0 =	vadd.f32 v44, v0  }
0x10c: {  	v50 =	vld [tilespmem:$0x1B80];
	v1 =	vadd.f32 v45, v1  }
0x10d: {  	v51 =	vcombine.low v8, v7;
	v0 =	vadd.f32 v46, v0  }
0x10e: {  	v1 =	vadd.f32 v47, v1  }
0x10f: {  	v2 =	vand.u32 $0xF, v51;
	v0 =	vadd.f32 v48, v0  }
0x110: {  	v1 =	vadd.f32 v49, v1  }
0x111: {  	v52 =	vimm.s32 $0xDCFE98BA;
	v53 =	vimm.s32 $0x54761032;
	v0 =	vadd.f32 v50, v0  }
0x112: {  	v3 =	vunpack.c.l.s4.s8 v52;
	v4 =	vunpack.c.l.s4.s8 v53;
	[tilespmem:$0x1C00] =	vst v1  }
0x113: {  	s31 =	simm.s32 $0x1C00;
	[tilespmem:$0xC00] =	vst v0  }
0x114: {  	s6 =	simm.s32 $0xC00;
	v3 =	vunpack.c.0.s8.s32 v3;
	v4 =	vunpack.c.0.s8.s32 v4;
	v54 =	vld.idx.msk [tilespmem:v2+s31+$0x0], $0xffff  }
0x115: {  	v2 =	vld.idx.msk [tilespmem:v2+s6+$0x0], $0xffff  }
0x116: {  	v3 =	vcombine.low v4, v3;
	_ =	sdelay $0x1  }
0x117: {  	v3 =	vand.u32 $0xF, v3  }
0x118: {  	v1 =	vadd.f32 v54, v1  }
0x119: {  	v55 =	vimm.s32 $0xBA98FEDC;
	v56 =	vimm.s32 $0x32107654;
	v0 =	vadd.f32 v2, v0  }
0x11a: {  	v4 =	vunpack.c.l.s4.s8 v56;
	v2 =	vunpack.c.l.s4.s8 v55;
	[tilespmem:$0x1C00] =	vst v1  }
0x11b: {  	[tilespmem:$0xC00] =	vst v0  }
0x11c: {  	v4 =	vunpack.c.0.s8.s32 v4;
	v2 =	vunpack.c.0.s8.s32 v2;
	v57 =	vld.idx.msk [tilespmem:v3+s31+$0x0], $0xffff  }
0x11d: {  	v3 =	vld.idx.msk [tilespmem:v3+s6+$0x0], $0xffff  }
0x11e: {  	v2 =	vcombine.low v4, v2;
	_ =	sdelay $0x1  }
0x11f: {  	v2 =	vand.u32 $0xF, v2  }
0x120: {  	v1 =	vadd.f32 v57, v1  }
0x121: {  	v58 =	vimm.s32 $0xFEDCBA98;
	v0 =	vadd.f32 v3, v0  }
0x122: {  	v59 =	vimm.s32 $0x76543210;
	v3 =	vunpack.c.l.s4.s8 v58;
	[tilespmem:$0x1C00] =	vst v1  }
0x123: {  	v4 =	vunpack.c.l.s4.s8 v59;
	[tilespmem:$0xC00] =	vst v0  }
0x124: {  	v3 =	vunpack.c.0.s8.s32 v3;
	v60 =	vld.idx.msk [tilespmem:v2+s31+$0x0], $0xffff  }
0x125: {  	v4 =	vunpack.c.0.s8.s32 v4;
	v2 =	vld.idx.msk [tilespmem:v2+s6+$0x0], $0xffff  }
0x126: {  	v3 =	vand.u32 $0xF, v3  }
0x127: {  	v3 =	vcombine.low v3, v4;
	_ =	sdelay $0x1  }
0x128: {  	v1 =	vadd.f32 v60, v1  }
0x129: {  	v0 =	vadd.f32 v2, v0  }
0x12a: {  	[tilespmem:$0x1C00] =	vst v1  }
0x12b: {  	[tilespmem:$0xC00] =	vst v0  }
0x12c: {  	v61 =	vld.idx.msk [tilespmem:v3+s6+$0x0], $0xffff;
	_ =	sdelay $0x4  }
0x12d: {  	v0 =	vadd.f32 v61, v0;
	_ =	sdelay $0x1  }
0x12e: {  	(erf) = vrcp.f32 v0;
	_ =	sdelay $0x2  }
0x12f: {  	v62 =	vld.idx.msk [tilespmem:v3+s31+$0x0], $0xffff;
	_ =	sdelay $0x4  }
0x130: {  	v0 =	vadd.f32 v62, v1  }
0x131: {  	v63 =	vpop (erf)  }
0x132: {  	v0 =	vmul.f32 v63, v0;
	_ =	sdelay $0x1  }
0x133: {  	[tilespmem:$0x1C00] =	vst v0  }
0x134: {  	[hbm4b:s2+s3] =	stream.linear.scatter [tilespmem:s31], [sflag:$0x2], $0x80, $0x38;
	[tilespmem:$0x1CA0] =	vst v63  }
0x135: {  	_ =	swait.ge [sflag:s30], $0x80  }
0x136: {  	[sflag:s30] =	ssyncset.done $0x0  }
0x137: {  	[sflag:s30] =	ssyncadd.s32 $0xFFFFFF80  }
.LBB2_3:
0x138: {  	_ =	sfence.sel $0x180000  }
0x139: {  	[bflag:$0x0] =	sbarrier.arrive $0xFFFF  }
0x13a: {  	p0 =	sne.s32 s1, $0x0;
	_ =	strace $0x90000047  }
0x13b: {  	s0 =	sadd.s32 @!p0 $0x100000, s0;
	[bflag:$0x2] =	sbarrier.arrive $0xFFFF  }
0x13c: {  	[sflag:s0] =	ssyncadd.tile.s32 @!p0 $0x1;
	_ =	shalt  }
.Lfunc_end2:
_tile_overlayer_lowered:
.L_overlay_start_2:
0x13d: {  	(tag) =	ssettag $0x2  }
0x13e: {  	s0 =	rddreg [dreg:$0x0];
	s2 =	stileid.u32  }
0x13f: {  	s1 =	rddreg [dreg:$0x1];
	p0 =	sne.s32 s2, $0x0  }
0x140: {  	s3 =	rddreg [dreg:$0x2];
	[bflag:$0x3] =	sbarrier.arrive $0xFFFF;
	s2 =	simm.s32 @!p0 $0x1C02  }
0x141: {  	[timem:s3], [sflag:s2] =	dma.local @!p0 [hbm:s0], s1  }
0x142: {  	s0 =	simm.s32 @!p0 $0x2  }
0x143: {  	_ =	swait.ge @!p0 [sflag:s0], s1  }
0x144: {  	s1 =	ssub.s32 @!p0 $0x0, s1;
	[sflag:s0] =	ssyncset.done @!p0 $0x0  }
0x145: {  	[sflag:s0] =	ssyncadd.s32 @!p0 s1  }
0x146: {  	[bflag:$0x3] =	sbarrier.arrive $0xFFFF  }
0x147: {  	_ =	shalt  }

</sc_bundles>
